<compile_context>
chip_gen: v7x
topology: tpu7x:2x2x1
jax: 0.10.2.dev20260603
libtpu: 0.0.44.dev20260713+nightly
codegen_flags: <defaults>
</compile_context>

<pallas_src>
import functools

import jax
import jax.numpy as jnp
from jax import lax
from jax.experimental import pallas as pl
from jax.experimental.pallas import tpu as pltpu
from jax.experimental.pallas import tpu_sc as plsc

NC = 2
NS = 16
NW = NC * NS
L = 16

BATCH = 16384
K_DIM = 32
B_PER_W = BATCH // NW
CHUNK = 128
N_CHUNK = B_PER_W // CHUNK
ROWS128 = BATCH // CHUNK


def _sc_gather_partials(users2d, items2d, ue, ie, ub_flat, ib_flat):
  mesh = plsc.VectorSubcoreMesh(
      core_axis_name="c", subcore_axis_name="s",
      num_cores=NC, num_subcores=NS)

  @functools.partial(
      pl.kernel,
      out_type=(
          jax.ShapeDtypeStruct((NW, 2 * L), jnp.float32),
          jax.ShapeDtypeStruct((ROWS128, CHUNK), jnp.float32),
          jax.ShapeDtypeStruct((ROWS128, CHUNK), jnp.float32),
      ),
      mesh=mesh,
      compiler_params=pltpu.CompilerParams(use_tc_tiling_on_sc=False),
      scratch_types=[
          pltpu.VMEM((N_CHUNK, CHUNK), jnp.int32),
          pltpu.VMEM((N_CHUNK, CHUNK), jnp.int32),
          pltpu.VMEM((B_PER_W, K_DIM), jnp.float32),
          pltpu.VMEM((B_PER_W, K_DIM), jnp.float32),
          pltpu.VMEM((N_CHUNK, CHUNK), jnp.float32),
          pltpu.VMEM((N_CHUNK, CHUNK), jnp.float32),
          pltpu.VMEM((2 * L,), jnp.float32),
          pltpu.SemaphoreType.DMA,
          pltpu.SemaphoreType.DMA,
      ],
  )
  def k(u_hbm, i_hbm, ue_hbm, ie_hbm, ub_hbm, ib_hbm,
        part_out, ubg_out, ibg_out,
        idx_u, idx_i, rows_u, rows_i, bu, bi, part_v, sem_e, sem_b):
    wid = lax.axis_index("s") * NC + lax.axis_index("c")
    r0 = wid * N_CHUNK
    pltpu.sync_copy(u_hbm.at[pl.ds(r0, N_CHUNK)], idx_u)
    pltpu.sync_copy(i_hbm.at[pl.ds(r0, N_CHUNK)], idx_i)
    handles = []
    for j in range(N_CHUNK):
      handles.append(pltpu.async_copy(
          ue_hbm.at[idx_u.at[j]], rows_u.at[pl.ds(j * CHUNK, CHUNK)], sem_e))
      handles.append(pltpu.async_copy(
          ie_hbm.at[idx_i.at[j]], rows_i.at[pl.ds(j * CHUNK, CHUNK)], sem_e))
      handles.append(pltpu.async_copy(
          ub_hbm.at[idx_u.at[j]], bu.at[j], sem_b))
      handles.append(pltpu.async_copy(
          ib_hbm.at[idx_i.at[j]], bi.at[j], sem_b))
    for h in handles:
      h.wait()

    pltpu.sync_copy(bu, ubg_out.at[pl.ds(r0, N_CHUNK)])
    pltpu.sync_copy(bi, ibg_out.at[pl.ds(r0, N_CHUNK)])
    l2b = jnp.zeros((L,), jnp.float32)
    for j in range(N_CHUNK):
      for c in range(CHUNK // L):
        x = bu[j, pl.ds(c * L, L)]
        y = bi[j, pl.ds(c * L, L)]
        l2b = l2b + x * x + y * y

    def body(i, carry):
      dot, l2 = carry
      u0 = rows_u[i, pl.ds(0, L)]
      u1 = rows_u[i, pl.ds(L, L)]
      v0 = rows_i[i, pl.ds(0, L)]
      v1 = rows_i[i, pl.ds(L, L)]
      dot = dot + u0 * v0 + u1 * v1
      l2 = l2 + u0 * u0 + u1 * u1 + v0 * v0 + v1 * v1
      return dot, l2

    dot, l2 = lax.fori_loop(
        0, B_PER_W, body,
        (jnp.zeros((L,), jnp.float32), l2b))
    part_v[pl.ds(0, L)] = dot
    part_v[pl.ds(L, L)] = l2
    pltpu.sync_copy(part_v, part_out.at[wid])

  return k(users2d, items2d, ue, ie, ub_flat, ib_flat)


def _tc_finish(part, ubg, ibg, gb):
  def body(part_ref, ubg_ref, ibg_ref, gb_ref, out_ref, l2_ref):
    p = part_ref[...]
    dot_all = jnp.sum(p[:, 0:L])
    l2 = jnp.sum(p[:, L:2 * L])
    z = dot_all + gb_ref[0, 0] + ubg_ref[...] + ibg_ref[...]
    out_ref[...] = jax.nn.sigmoid(z)
    l2_ref[0, 0] = l2

  return pl.pallas_call(
      body,
      out_shape=(
          jax.ShapeDtypeStruct((ROWS128, CHUNK), jnp.float32),
          jax.ShapeDtypeStruct((1, 1), jnp.float32),
      ),
      in_specs=[
          pl.BlockSpec(memory_space=pltpu.VMEM),
          pl.BlockSpec(memory_space=pltpu.VMEM),
          pl.BlockSpec(memory_space=pltpu.VMEM),
          pl.BlockSpec(memory_space=pltpu.SMEM),
      ],
      out_specs=(
          pl.BlockSpec(memory_space=pltpu.VMEM),
          pl.BlockSpec(memory_space=pltpu.SMEM),
      ),
  )(part, ubg, ibg, gb)


def kernel(users, items, users_embedding, users_bias, items_embedding,
           items_bias, global_bias):
  users2d = users.astype(jnp.int32).reshape(ROWS128, CHUNK)
  items2d = items.astype(jnp.int32).reshape(ROWS128, CHUNK)
  ub_flat = users_bias.reshape(-1)
  ib_flat = items_bias.reshape(-1)
  part, ubg, ibg = _sc_gather_partials(
      users2d, items2d, users_embedding, items_embedding, ub_flat, ib_flat)
  out2d, l2 = _tc_finish(part, ubg, ibg, global_bias)
  return out2d.reshape(BATCH, 1), l2[0, 0]

# --- scband reference (transcript-rebuilt; emitter-appended) ---
"""Pipeline reference for scband-mf-88021059764304 (READ-ONLY COPY).

The authoritative reference and input builder live on the scoring server;
editing this copy changes nothing except your own understanding.
"""

import jax, jax.numpy as jnp
import numpy as np

USER_NUM = 1000000
ITEM_NUM = 1000000
K_DIM = 32
BATCH = 16384

def setup_inputs(seed: int = 0) -> dict:
    key = jax.random.key(seed)
    k1, k2, k3, k4, k5, k6, k7 = jax.random.split(key, 7)
    users = jax.random.randint(k1, (BATCH,), 0, USER_NUM, dtype=jnp.int64 if jax.config.jax_enable_x64 else jnp.int32)
    items = jax.random.randint(k2, (BATCH,), 0, ITEM_NUM, dtype=jnp.int64 if jax.config.jax_enable_x64 else jnp.int32)
    users_embedding = jax.random.normal(k3, (USER_NUM, K_DIM), dtype=jnp.float32)
    users_bias = jax.random.normal(k4, (USER_NUM, 1), dtype=jnp.float32)
    items_embedding = jax.random.normal(k5, (ITEM_NUM, K_DIM), dtype=jnp.float32)
    items_bias = jax.random.normal(k6, (ITEM_NUM, 1), dtype=jnp.float32)
    global_bias = jax.random.normal(k7, (1, 1), dtype=jnp.float32)
    return {
        "users": users,
        "items": items,
        "users_embedding": users_embedding,
        "users_bias": users_bias,
        "items_embedding": items_embedding,
        "items_bias": items_bias,
        "global_bias": global_bias,
    }

def reference(users, items, users_embedding, users_bias, items_embedding, items_bias, global_bias):
    batch = users.shape[0]
    users_embed = jnp.take(users_embedding, users, axis=0)
    u_bias = jnp.take(users_bias, users, axis=0)
    items_embed = jnp.take(items_embedding, items, axis=0)
    i_bias = jnp.take(items_bias, items, axis=0)
    # Faithful to the torch code: torch.sum(torch.mul(...)) reduces over ALL
    # elements producing a scalar, which then broadcasts against [B,1] biases.
    dot_all = jnp.sum(users_embed * items_embed)
    output = jax.nn.sigmoid(dot_all + u_bias + i_bias + jnp.tile(global_bias, (batch, 1)))
    L2_loss = (jnp.sum(users_embed ** 2) + jnp.sum(items_embed ** 2)
               + jnp.sum(u_bias ** 2) + jnp.sum(i_bias ** 2))
    return (output, L2_loss)

if __name__ == "__main__":
    import jax
    _d = setup_inputs()
    print(jax.jit(kernel)(*tuple(_d.values())))

</pallas_src>

<mosaic_0001>
#map = affine_map<(d0, d1) -> (0, 0)>
#map1 = affine_map<(d0, d1) -> (0)>
module attributes {stable_mosaic.version = 14 : i64} {
  func.func @k(%arg0: i32, %arg1: i32, %arg2: memref<128x128xi32, #tpu.memory_space<hbm>>, %arg3: memref<128x128xi32, #tpu.memory_space<hbm>>, %arg4: memref<1000000x32xf32, #tpu.memory_space<hbm>>, %arg5: memref<1000000x32xf32, #tpu.memory_space<hbm>>, %arg6: memref<1000000xf32, #tpu.memory_space<hbm>>, %arg7: memref<1000000xf32, #tpu.memory_space<hbm>>, %arg8: memref<32x32xf32, #tpu.memory_space<hbm>>, %arg9: memref<128x128xf32, #tpu.memory_space<hbm>>, %arg10: memref<128x128xf32, #tpu.memory_space<hbm>>, %arg11: memref<4x128xi32, #tpu.memory_space<vmem>>, %arg12: memref<4x128xi32, #tpu.memory_space<vmem>>, %arg13: memref<512x32xf32, #tpu.memory_space<vmem>>, %arg14: memref<512x32xf32, #tpu.memory_space<vmem>>, %arg15: memref<4x128xf32, #tpu.memory_space<vmem>>, %arg16: memref<4x128xf32, #tpu.memory_space<vmem>>, %arg17: memref<32xf32, #tpu.memory_space<vmem>>, %arg18: memref<!tpu.dma_semaphore, #tpu.memory_space<semaphore_mem>>, %arg19: memref<!tpu.dma_semaphore, #tpu.memory_space<semaphore_mem>>) attributes {dimension_semantics = [#tpu.dimension_semantics<core_parallel>, #tpu.dimension_semantics<subcore_parallel>], iteration_bounds = array<i64: 2, 16>, scalar_prefetch = 0 : i64, scratch_operands = 9 : i64, tpu.core_type = #tpu.core_type<sc_vector_subcore>, window_params = [{transform_indices = #map}, {transform_indices = #map}, {transform_indices = #map}, {transform_indices = #map}, {transform_indices = #map1}, {transform_indices = #map1}, {transform_indices = #map}, {transform_indices = #map}, {transform_indices = #map}]} {
    %mul3A = arith.constant 2 : i32
    %mul3A_0 = arith.muli %arg1, %mul3A : i32
    %add3A = arith.addi %mul3A_0, %arg0 : i32
    %mul3A_1 = arith.constant 4 : i32
    %mul3A_2 = arith.muli %add3A, %mul3A_1 : i32
    "tpu.region"() ({
      %run_scoped3A = tpu.sem_alloc : memref<!tpu.dma_semaphore, #tpu.memory_space<semaphore_mem>>
      %dma_start3A_783 = arith.constant 0 : i32
      %dma_start3A_784 = tpu.memref_slice %arg2[%mul3A_2, %dma_start3A_783] : memref<128x128xi32, #tpu.memory_space<hbm>> -> memref<4x128xi32, #tpu.memory_space<hbm>>
      %dma_start3A_785 = arith.constant 0 : i32
      %dma_start3A_786 = tpu.memref_slice %arg2[%mul3A_2, %dma_start3A_785] : memref<128x128xi32, #tpu.memory_space<hbm>> -> memref<4x128xi32, #tpu.memory_space<hbm>>
      tpu.enqueue_dma source(%dma_start3A_786 : memref<4x128xi32, #tpu.memory_space<hbm>>) target(%arg11 : memref<4x128xi32, #tpu.memory_space<vmem>>) target_semaphore(%run_scoped3A : memref<!tpu.dma_semaphore, #tpu.memory_space<semaphore_mem>>)
      %dma_wait3A_787 = arith.constant 0 : i32
      %dma_wait3A_788 = tpu.memref_slice %arg2[%mul3A_2, %dma_wait3A_787] : memref<128x128xi32, #tpu.memory_space<hbm>> -> memref<4x128xi32, #tpu.memory_space<hbm>>
      %dma_wait3A_789 = arith.constant 0 : i32
      %dma_wait3A_790 = tpu.memref_slice %arg2[%mul3A_2, %dma_wait3A_789] : memref<128x128xi32, #tpu.memory_space<hbm>> -> memref<4x128xi32, #tpu.memory_space<hbm>>
      tpu.wait_dma2 semaphore(%run_scoped3A : memref<!tpu.dma_semaphore, #tpu.memory_space<semaphore_mem>>) src(%dma_wait3A_790 : memref<4x128xi32, #tpu.memory_space<hbm>>) dst(%arg11 : memref<4x128xi32, #tpu.memory_space<vmem>>)
      tpu.yield
    }) : () -> ()
    "tpu.region"() ({
      %run_scoped3A = tpu.sem_alloc : memref<!tpu.dma_semaphore, #tpu.memory_space<semaphore_mem>>
      %dma_start3A_783 = arith.constant 0 : i32
      %dma_start3A_784 = tpu.memref_slice %arg3[%mul3A_2, %dma_start3A_783] : memref<128x128xi32, #tpu.memory_space<hbm>> -> memref<4x128xi32, #tpu.memory_space<hbm>>
      %dma_start3A_785 = arith.constant 0 : i32
      %dma_start3A_786 = tpu.memref_slice %arg3[%mul3A_2, %dma_start3A_785] : memref<128x128xi32, #tpu.memory_space<hbm>> -> memref<4x128xi32, #tpu.memory_space<hbm>>
      tpu.enqueue_dma source(%dma_start3A_786 : memref<4x128xi32, #tpu.memory_space<hbm>>) target(%arg12 : memref<4x128xi32, #tpu.memory_space<vmem>>) target_semaphore(%run_scoped3A : memref<!tpu.dma_semaphore, #tpu.memory_space<semaphore_mem>>)
      %dma_wait3A_787 = arith.constant 0 : i32
      %dma_wait3A_788 = tpu.memref_slice %arg3[%mul3A_2, %dma_wait3A_787] : memref<128x128xi32, #tpu.memory_space<hbm>> -> memref<4x128xi32, #tpu.memory_space<hbm>>
      %dma_wait3A_789 = arith.constant 0 : i32
      %dma_wait3A_790 = tpu.memref_slice %arg3[%mul3A_2, %dma_wait3A_789] : memref<128x128xi32, #tpu.memory_space<hbm>> -> memref<4x128xi32, #tpu.memory_space<hbm>>
      tpu.wait_dma2 semaphore(%run_scoped3A : memref<!tpu.dma_semaphore, #tpu.memory_space<semaphore_mem>>) src(%dma_wait3A_790 : memref<4x128xi32, #tpu.memory_space<hbm>>) dst(%arg12 : memref<4x128xi32, #tpu.memory_space<vmem>>)
      tpu.yield
    }) : () -> ()
    %dma_start3A = arith.constant 0 : i32
    %dma_start3A_3 = arith.constant 0 : i32
    %dma_start3A_4 = arith.constant 0 : i32
    %dma_start3A_5 = tpu.memref_slice %arg13[%dma_start3A_3, %dma_start3A_4] : memref<512x32xf32, #tpu.memory_space<vmem>> -> memref<128x32xf32, #tpu.memory_space<vmem>>
    %dma_start3A_6 = arith.constant 0 : i32
    %dma_start3A_7 = tpu.memref_slice %arg11[%dma_start3A, %dma_start3A_6] : memref<4x128xi32, #tpu.memory_space<vmem>> -> memref<1x128xi32, #tpu.memory_space<vmem>>
    %dma_start3A_8 = tpu.memref_squeeze %dma_start3A_7 : memref<1x128xi32, #tpu.memory_space<vmem>> -> memref<128xi32, #tpu.memory_space<vmem>>
    %dma_start3A_9 = arith.constant 0 : i32
    %dma_start3A_10 = arith.constant 0 : i32
    %dma_start3A_11 = tpu.memref_slice %arg4[%dma_start3A_9, %dma_start3A_10] : memref<1000000x32xf32, #tpu.memory_space<hbm>> -> memref<1000000x32xf32, #tpu.memory_space<hbm>>
    tpu.enqueue_indirect_dma source(%dma_start3A_11 : memref<1000000x32xf32, #tpu.memory_space<hbm>>) target(%dma_start3A_5 : memref<128x32xf32, #tpu.memory_space<vmem>>) offsets(%dma_start3A_8 : memref<128xi32, #tpu.memory_space<vmem>>) semaphore(%arg18 : memref<!tpu.dma_semaphore, #tpu.memory_space<semaphore_mem>>)
    %dma_start3A_12 = arith.constant 0 : i32
    %dma_start3A_13 = arith.constant 0 : i32
    %dma_start3A_14 = arith.constant 0 : i32
    %dma_start3A_15 = tpu.memref_slice %arg14[%dma_start3A_13, %dma_start3A_14] : memref<512x32xf32, #tpu.memory_space<vmem>> -> memref<128x32xf32, #tpu.memory_space<vmem>>
    %dma_start3A_16 = arith.constant 0 : i32
    %dma_start3A_17 = tpu.memref_slice %arg12[%dma_start3A_12, %dma_start3A_16] : memref<4x128xi32, #tpu.memory_space<vmem>> -> memref<1x128xi32, #tpu.memory_space<vmem>>
    %dma_start3A_18 = tpu.memref_squeeze %dma_start3A_17 : memref<1x128xi32, #tpu.memory_space<vmem>> -> memref<128xi32, #tpu.memory_space<vmem>>
    %dma_start3A_19 = arith.constant 0 : i32
    %dma_start3A_20 = arith.constant 0 : i32
    %dma_start3A_21 = tpu.memref_slice %arg5[%dma_start3A_19, %dma_start3A_20] : memref<1000000x32xf32, #tpu.memory_space<hbm>> -> memref<1000000x32xf32, #tpu.memory_space<hbm>>
    tpu.enqueue_indirect_dma source(%dma_start3A_21 : memref<1000000x32xf32, #tpu.memory_space<hbm>>) target(%dma_start3A_15 : memref<128x32xf32, #tpu.memory_space<vmem>>) offsets(%dma_start3A_18 : memref<128xi32, #tpu.memory_space<vmem>>) semaphore(%arg18 : memref<!tpu.dma_semaphore, #tpu.memory_space<semaphore_mem>>)
    %dma_start3A_22 = arith.constant 0 : i32
    %dma_start3A_23 = arith.constant 0 : i32
    %dma_start3A_24 = arith.constant 0 : i32
    %dma_start3A_25 = tpu.memref_slice %arg15[%dma_start3A_23, %dma_start3A_24] : memref<4x128xf32, #tpu.memory_space<vmem>> -> memref<1x128xf32, #tpu.memory_space<vmem>>
    %dma_start3A_26 = tpu.memref_squeeze %dma_start3A_25 : memref<1x128xf32, #tpu.memory_space<vmem>> -> memref<128xf32, #tpu.memory_space<vmem>>
    %dma_start3A_27 = arith.constant 0 : i32
    %dma_start3A_28 = tpu.memref_slice %arg11[%dma_start3A_22, %dma_start3A_27] : memref<4x128xi32, #tpu.memory_space<vmem>> -> memref<1x128xi32, #tpu.memory_space<vmem>>
    %dma_start3A_29 = tpu.memref_squeeze %dma_start3A_28 : memref<1x128xi32, #tpu.memory_space<vmem>> -> memref<128xi32, #tpu.memory_space<vmem>>
    %dma_start3A_30 = arith.constant 0 : i32
    %dma_start3A_31 = tpu.memref_slice %arg6[%dma_start3A_30] : memref<1000000xf32, #tpu.memory_space<hbm>> -> memref<1000000xf32, #tpu.memory_space<hbm>>
    tpu.enqueue_indirect_dma source(%dma_start3A_31 : memref<1000000xf32, #tpu.memory_space<hbm>>) target(%dma_start3A_26 : memref<128xf32, #tpu.memory_space<vmem>>) offsets(%dma_start3A_29 : memref<128xi32, #tpu.memory_space<vmem>>) semaphore(%arg19 : memref<!tpu.dma_semaphore, #tpu.memory_space<semaphore_mem>>)
    %dma_start3A_32 = arith.constant 0 : i32
    %dma_start3A_33 = arith.constant 0 : i32
    %dma_start3A_34 = arith.constant 0 : i32
    %dma_start3A_35 = tpu.memref_slice %arg16[%dma_start3A_33, %dma_start3A_34] : memref<4x128xf32, #tpu.memory_space<vmem>> -> memref<1x128xf32, #tpu.memory_space<vmem>>
    %dma_start3A_36 = tpu.memref_squeeze %dma_start3A_35 : memref<1x128xf32, #tpu.memory_space<vmem>> -> memref<128xf32, #tpu.memory_space<vmem>>
    %dma_start3A_37 = arith.constant 0 : i32
    %dma_start3A_38 = tpu.memref_slice %arg12[%dma_start3A_32, %dma_start3A_37] : memref<4x128xi32, #tpu.memory_space<vmem>> -> memref<1x128xi32, #tpu.memory_space<vmem>>
    %dma_start3A_39 = tpu.memref_squeeze %dma_start3A_38 : memref<1x128xi32, #tpu.memory_space<vmem>> -> memref<128xi32, #tpu.memory_space<vmem>>
    %dma_start3A_40 = arith.constant 0 : i32
    %dma_start3A_41 = tpu.memref_slice %arg7[%dma_start3A_40] : memref<1000000xf32, #tpu.memory_space<hbm>> -> memref<1000000xf32, #tpu.memory_space<hbm>>
    tpu.enqueue_indirect_dma source(%dma_start3A_41 : memref<1000000xf32, #tpu.memory_space<hbm>>) target(%dma_start3A_36 : memref<128xf32, #tpu.memory_space<vmem>>) offsets(%dma_start3A_39 : memref<128xi32, #tpu.memory_space<vmem>>) semaphore(%arg19 : memref<!tpu.dma_semaphore, #tpu.memory_space<semaphore_mem>>)
    %dma_start3A_42 = arith.constant 1 : i32
    %dma_start3A_43 = arith.constant 128 : i32
    %dma_start3A_44 = arith.constant 0 : i32
    %dma_start3A_45 = tpu.memref_slice %arg13[%dma_start3A_43, %dma_start3A_44] : memref<512x32xf32, #tpu.memory_space<vmem>> -> memref<128x32xf32, #tpu.memory_space<vmem>>
    %dma_start3A_46 = arith.constant 0 : i32
    %dma_start3A_47 = tpu.memref_slice %arg11[%dma_start3A_42, %dma_start3A_46] : memref<4x128xi32, #tpu.memory_space<vmem>> -> memref<1x128xi32, #tpu.memory_space<vmem>>
    %dma_start3A_48 = tpu.memref_squeeze %dma_start3A_47 : memref<1x128xi32, #tpu.memory_space<vmem>> -> memref<128xi32, #tpu.memory_space<vmem>>
    %dma_start3A_49 = arith.constant 0 : i32
    %dma_start3A_50 = arith.constant 0 : i32
    %dma_start3A_51 = tpu.memref_slice %arg4[%dma_start3A_49, %dma_start3A_50] : memref<1000000x32xf32, #tpu.memory_space<hbm>> -> memref<1000000x32xf32, #tpu.memory_space<hbm>>
    tpu.enqueue_indirect_dma source(%dma_start3A_51 : memref<1000000x32xf32, #tpu.memory_space<hbm>>) target(%dma_start3A_45 : memref<128x32xf32, #tpu.memory_space<vmem>>) offsets(%dma_start3A_48 : memref<128xi32, #tpu.memory_space<vmem>>) semaphore(%arg18 : memref<!tpu.dma_semaphore, #tpu.memory_space<semaphore_mem>>)
    %dma_start3A_52 = arith.constant 1 : i32
    %dma_start3A_53 = arith.constant 128 : i32
    %dma_start3A_54 = arith.constant 0 : i32
    %dma_start3A_55 = tpu.memref_slice %arg14[%dma_start3A_53, %dma_start3A_54] : memref<512x32xf32, #tpu.memory_space<vmem>> -> memref<128x32xf32, #tpu.memory_space<vmem>>
    %dma_start3A_56 = arith.constant 0 : i32
    %dma_start3A_57 = tpu.memref_slice %arg12[%dma_start3A_52, %dma_start3A_56] : memref<4x128xi32, #tpu.memory_space<vmem>> -> memref<1x128xi32, #tpu.memory_space<vmem>>
    %dma_start3A_58 = tpu.memref_squeeze %dma_start3A_57 : memref<1x128xi32, #tpu.memory_space<vmem>> -> memref<128xi32, #tpu.memory_space<vmem>>
    %dma_start3A_59 = arith.constant 0 : i32
    %dma_start3A_60 = arith.constant 0 : i32
    %dma_start3A_61 = tpu.memref_slice %arg5[%dma_start3A_59, %dma_start3A_60] : memref<1000000x32xf32, #tpu.memory_space<hbm>> -> memref<1000000x32xf32, #tpu.memory_space<hbm>>
    tpu.enqueue_indirect_dma source(%dma_start3A_61 : memref<1000000x32xf32, #tpu.memory_space<hbm>>) target(%dma_start3A_55 : memref<128x32xf32, #tpu.memory_space<vmem>>) offsets(%dma_start3A_58 : memref<128xi32, #tpu.memory_space<vmem>>) semaphore(%arg18 : memref<!tpu.dma_semaphore, #tpu.memory_space<semaphore_mem>>)
    %dma_start3A_62 = arith.constant 1 : i32
    %dma_start3A_63 = arith.constant 1 : i32
    %dma_start3A_64 = arith.constant 0 : i32
    %dma_start3A_65 = tpu.memref_slice %arg15[%dma_start3A_63, %dma_start3A_64] : memref<4x128xf32, #tpu.memory_space<vmem>> -> memref<1x128xf32, #tpu.memory_space<vmem>>
    %dma_start3A_66 = tpu.memref_squeeze %dma_start3A_65 : memref<1x128xf32, #tpu.memory_space<vmem>> -> memref<128xf32, #tpu.memory_space<vmem>>
    %dma_start3A_67 = arith.constant 0 : i32
    %dma_start3A_68 = tpu.memref_slice %arg11[%dma_start3A_62, %dma_start3A_67] : memref<4x128xi32, #tpu.memory_space<vmem>> -> memref<1x128xi32, #tpu.memory_space<vmem>>
    %dma_start3A_69 = tpu.memref_squeeze %dma_start3A_68 : memref<1x128xi32, #tpu.memory_space<vmem>> -> memref<128xi32, #tpu.memory_space<vmem>>
    %dma_start3A_70 = arith.constant 0 : i32
    %dma_start3A_71 = tpu.memref_slice %arg6[%dma_start3A_70] : memref<1000000xf32, #tpu.memory_space<hbm>> -> memref<1000000xf32, #tpu.memory_space<hbm>>
    tpu.enqueue_indirect_dma source(%dma_start3A_71 : memref<1000000xf32, #tpu.memory_space<hbm>>) target(%dma_start3A_66 : memref<128xf32, #tpu.memory_space<vmem>>) offsets(%dma_start3A_69 : memref<128xi32, #tpu.memory_space<vmem>>) semaphore(%arg19 : memref<!tpu.dma_semaphore, #tpu.memory_space<semaphore_mem>>)
    %dma_start3A_72 = arith.constant 1 : i32
    %dma_start3A_73 = arith.constant 1 : i32
    %dma_start3A_74 = arith.constant 0 : i32
    %dma_start3A_75 = tpu.memref_slice %arg16[%dma_start3A_73, %dma_start3A_74] : memref<4x128xf32, #tpu.memory_space<vmem>> -> memref<1x128xf32, #tpu.memory_space<vmem>>
    %dma_start3A_76 = tpu.memref_squeeze %dma_start3A_75 : memref<1x128xf32, #tpu.memory_space<vmem>> -> memref<128xf32, #tpu.memory_space<vmem>>
    %dma_start3A_77 = arith.constant 0 : i32
    %dma_start3A_78 = tpu.memref_slice %arg12[%dma_start3A_72, %dma_start3A_77] : memref<4x128xi32, #tpu.memory_space<vmem>> -> memref<1x128xi32, #tpu.memory_space<vmem>>
    %dma_start3A_79 = tpu.memref_squeeze %dma_start3A_78 : memref<1x128xi32, #tpu.memory_space<vmem>> -> memref<128xi32, #tpu.memory_space<vmem>>
    %dma_start3A_80 = arith.constant 0 : i32
    %dma_start3A_81 = tpu.memref_slice %arg7[%dma_start3A_80] : memref<1000000xf32, #tpu.memory_space<hbm>> -> memref<1000000xf32, #tpu.memory_space<hbm>>
    tpu.enqueue_indirect_dma source(%dma_start3A_81 : memref<1000000xf32, #tpu.memory_space<hbm>>) target(%dma_start3A_76 : memref<128xf32, #tpu.memory_space<vmem>>) offsets(%dma_start3A_79 : memref<128xi32, #tpu.memory_space<vmem>>) semaphore(%arg19 : memref<!tpu.dma_semaphore, #tpu.memory_space<semaphore_mem>>)
    %dma_start3A_82 = arith.constant 2 : i32
    %dma_start3A_83 = arith.constant 256 : i32
    %dma_start3A_84 = arith.constant 0 : i32
    %dma_start3A_85 = tpu.memref_slice %arg13[%dma_start3A_83, %dma_start3A_84] : memref<512x32xf32, #tpu.memory_space<vmem>> -> memref<128x32xf32, #tpu.memory_space<vmem>>
    %dma_start3A_86 = arith.constant 0 : i32
    %dma_start3A_87 = tpu.memref_slice %arg11[%dma_start3A_82, %dma_start3A_86] : memref<4x128xi32, #tpu.memory_space<vmem>> -> memref<1x128xi32, #tpu.memory_space<vmem>>
    %dma_start3A_88 = tpu.memref_squeeze %dma_start3A_87 : memref<1x128xi32, #tpu.memory_space<vmem>> -> memref<128xi32, #tpu.memory_space<vmem>>
    %dma_start3A_89 = arith.constant 0 : i32
    %dma_start3A_90 = arith.constant 0 : i32
    %dma_start3A_91 = tpu.memref_slice %arg4[%dma_start3A_89, %dma_start3A_90] : memref<1000000x32xf32, #tpu.memory_space<hbm>> -> memref<1000000x32xf32, #tpu.memory_space<hbm>>
    tpu.enqueue_indirect_dma source(%dma_start3A_91 : memref<1000000x32xf32, #tpu.memory_space<hbm>>) target(%dma_start3A_85 : memref<128x32xf32, #tpu.memory_space<vmem>>) offsets(%dma_start3A_88 : memref<128xi32, #tpu.memory_space<vmem>>) semaphore(%arg18 : memref<!tpu.dma_semaphore, #tpu.memory_space<semaphore_mem>>)
    %dma_start3A_92 = arith.constant 2 : i32
    %dma_start3A_93 = arith.constant 256 : i32
    %dma_start3A_94 = arith.constant 0 : i32
    %dma_start3A_95 = tpu.memref_slice %arg14[%dma_start3A_93, %dma_start3A_94] : memref<512x32xf32, #tpu.memory_space<vmem>> -> memref<128x32xf32, #tpu.memory_space<vmem>>
    %dma_start3A_96 = arith.constant 0 : i32
    %dma_start3A_97 = tpu.memref_slice %arg12[%dma_start3A_92, %dma_start3A_96] : memref<4x128xi32, #tpu.memory_space<vmem>> -> memref<1x128xi32, #tpu.memory_space<vmem>>
    %dma_start3A_98 = tpu.memref_squeeze %dma_start3A_97 : memref<1x128xi32, #tpu.memory_space<vmem>> -> memref<128xi32, #tpu.memory_space<vmem>>
    %dma_start3A_99 = arith.constant 0 : i32
    %dma_start3A_100 = arith.constant 0 : i32
    %dma_start3A_101 = tpu.memref_slice %arg5[%dma_start3A_99, %dma_start3A_100] : memref<1000000x32xf32, #tpu.memory_space<hbm>> -> memref<1000000x32xf32, #tpu.memory_space<hbm>>
    tpu.enqueue_indirect_dma source(%dma_start3A_101 : memref<1000000x32xf32, #tpu.memory_space<hbm>>) target(%dma_start3A_95 : memref<128x32xf32, #tpu.memory_space<vmem>>) offsets(%dma_start3A_98 : memref<128xi32, #tpu.memory_space<vmem>>) semaphore(%arg18 : memref<!tpu.dma_semaphore, #tpu.memory_space<semaphore_mem>>)
    %dma_start3A_102 = arith.constant 2 : i32
    %dma_start3A_103 = arith.constant 2 : i32
    %dma_start3A_104 = arith.constant 0 : i32
    %dma_start3A_105 = tpu.memref_slice %arg15[%dma_start3A_103, %dma_start3A_104] : memref<4x128xf32, #tpu.memory_space<vmem>> -> memref<1x128xf32, #tpu.memory_space<vmem>>
    %dma_start3A_106 = tpu.memref_squeeze %dma_start3A_105 : memref<1x128xf32, #tpu.memory_space<vmem>> -> memref<128xf32, #tpu.memory_space<vmem>>
    %dma_start3A_107 = arith.constant 0 : i32
    %dma_start3A_108 = tpu.memref_slice %arg11[%dma_start3A_102, %dma_start3A_107] : memref<4x128xi32, #tpu.memory_space<vmem>> -> memref<1x128xi32, #tpu.memory_space<vmem>>
    %dma_start3A_109 = tpu.memref_squeeze %dma_start3A_108 : memref<1x128xi32, #tpu.memory_space<vmem>> -> memref<128xi32, #tpu.memory_space<vmem>>
    %dma_start3A_110 = arith.constant 0 : i32
    %dma_start3A_111 = tpu.memref_slice %arg6[%dma_start3A_110] : memref<1000000xf32, #tpu.memory_space<hbm>> -> memref<1000000xf32, #tpu.memory_space<hbm>>
    tpu.enqueue_indirect_dma source(%dma_start3A_111 : memref<1000000xf32, #tpu.memory_space<hbm>>) target(%dma_start3A_106 : memref<128xf32, #tpu.memory_space<vmem>>) offsets(%dma_start3A_109 : memref<128xi32, #tpu.memory_space<vmem>>) semaphore(%arg19 : memref<!tpu.dma_semaphore, #tpu.memory_space<semaphore_mem>>)
    %dma_start3A_112 = arith.constant 2 : i32
    %dma_start3A_113 = arith.constant 2 : i32
    %dma_start3A_114 = arith.constant 0 : i32
    %dma_start3A_115 = tpu.memref_slice %arg16[%dma_start3A_113, %dma_start3A_114] : memref<4x128xf32, #tpu.memory_space<vmem>> -> memref<1x128xf32, #tpu.memory_space<vmem>>
    %dma_start3A_116 = tpu.memref_squeeze %dma_start3A_115 : memref<1x128xf32, #tpu.memory_space<vmem>> -> memref<128xf32, #tpu.memory_space<vmem>>
    %dma_start3A_117 = arith.constant 0 : i32
    %dma_start3A_118 = tpu.memref_slice %arg12[%dma_start3A_112, %dma_start3A_117] : memref<4x128xi32, #tpu.memory_space<vmem>> -> memref<1x128xi32, #tpu.memory_space<vmem>>
    %dma_start3A_119 = tpu.memref_squeeze %dma_start3A_118 : memref<1x128xi32, #tpu.memory_space<vmem>> -> memref<128xi32, #tpu.memory_space<vmem>>
    %dma_start3A_120 = arith.constant 0 : i32
    %dma_start3A_121 = tpu.memref_slice %arg7[%dma_start3A_120] : memref<1000000xf32, #tpu.memory_space<hbm>> -> memref<1000000xf32, #tpu.memory_space<hbm>>
    tpu.enqueue_indirect_dma source(%dma_start3A_121 : memref<1000000xf32, #tpu.memory_space<hbm>>) target(%dma_start3A_116 : memref<128xf32, #tpu.memory_space<vmem>>) offsets(%dma_start3A_119 : memref<128xi32, #tpu.memory_space<vmem>>) semaphore(%arg19 : memref<!tpu.dma_semaphore, #tpu.memory_space<semaphore_mem>>)
    %dma_start3A_122 = arith.constant 3 : i32
    %dma_start3A_123 = arith.constant 384 : i32
    %dma_start3A_124 = arith.constant 0 : i32
    %dma_start3A_125 = tpu.memref_slice %arg13[%dma_start3A_123, %dma_start3A_124] : memref<512x32xf32, #tpu.memory_space<vmem>> -> memref<128x32xf32, #tpu.memory_space<vmem>>
    %dma_start3A_126 = arith.constant 0 : i32
    %dma_start3A_127 = tpu.memref_slice %arg11[%dma_start3A_122, %dma_start3A_126] : memref<4x128xi32, #tpu.memory_space<vmem>> -> memref<1x128xi32, #tpu.memory_space<vmem>>
    %dma_start3A_128 = tpu.memref_squeeze %dma_start3A_127 : memref<1x128xi32, #tpu.memory_space<vmem>> -> memref<128xi32, #tpu.memory_space<vmem>>
    %dma_start3A_129 = arith.constant 0 : i32
    %dma_start3A_130 = arith.constant 0 : i32
    %dma_start3A_131 = tpu.memref_slice %arg4[%dma_start3A_129, %dma_start3A_130] : memref<1000000x32xf32, #tpu.memory_space<hbm>> -> memref<1000000x32xf32, #tpu.memory_space<hbm>>
    tpu.enqueue_indirect_dma source(%dma_start3A_131 : memref<1000000x32xf32, #tpu.memory_space<hbm>>) target(%dma_start3A_125 : memref<128x32xf32, #tpu.memory_space<vmem>>) offsets(%dma_start3A_128 : memref<128xi32, #tpu.memory_space<vmem>>) semaphore(%arg18 : memref<!tpu.dma_semaphore, #tpu.memory_space<semaphore_mem>>)
    %dma_start3A_132 = arith.constant 3 : i32
    %dma_start3A_133 = arith.constant 384 : i32
    %dma_start3A_134 = arith.constant 0 : i32
    %dma_start3A_135 = tpu.memref_slice %arg14[%dma_start3A_133, %dma_start3A_134] : memref<512x32xf32, #tpu.memory_space<vmem>> -> memref<128x32xf32, #tpu.memory_space<vmem>>
    %dma_start3A_136 = arith.constant 0 : i32
    %dma_start3A_137 = tpu.memref_slice %arg12[%dma_start3A_132, %dma_start3A_136] : memref<4x128xi32, #tpu.memory_space<vmem>> -> memref<1x128xi32, #tpu.memory_space<vmem>>
    %dma_start3A_138 = tpu.memref_squeeze %dma_start3A_137 : memref<1x128xi32, #tpu.memory_space<vmem>> -> memref<128xi32, #tpu.memory_space<vmem>>
    %dma_start3A_139 = arith.constant 0 : i32
    %dma_start3A_140 = arith.constant 0 : i32
    %dma_start3A_141 = tpu.memref_slice %arg5[%dma_start3A_139, %dma_start3A_140] : memref<1000000x32xf32, #tpu.memory_space<hbm>> -> memref<1000000x32xf32, #tpu.memory_space<hbm>>
    tpu.enqueue_indirect_dma source(%dma_start3A_141 : memref<1000000x32xf32, #tpu.memory_space<hbm>>) target(%dma_start3A_135 : memref<128x32xf32, #tpu.memory_space<vmem>>) offsets(%dma_start3A_138 : memref<128xi32, #tpu.memory_space<vmem>>) semaphore(%arg18 : memref<!tpu.dma_semaphore, #tpu.memory_space<semaphore_mem>>)
    %dma_start3A_142 = arith.constant 3 : i32
    %dma_start3A_143 = arith.constant 3 : i32
    %dma_start3A_144 = arith.constant 0 : i32
    %dma_start3A_145 = tpu.memref_slice %arg15[%dma_start3A_143, %dma_start3A_144] : memref<4x128xf32, #tpu.memory_space<vmem>> -> memref<1x128xf32, #tpu.memory_space<vmem>>
    %dma_start3A_146 = tpu.memref_squeeze %dma_start3A_145 : memref<1x128xf32, #tpu.memory_space<vmem>> -> memref<128xf32, #tpu.memory_space<vmem>>
    %dma_start3A_147 = arith.constant 0 : i32
    %dma_start3A_148 = tpu.memref_slice %arg11[%dma_start3A_142, %dma_start3A_147] : memref<4x128xi32, #tpu.memory_space<vmem>> -> memref<1x128xi32, #tpu.memory_space<vmem>>
    %dma_start3A_149 = tpu.memref_squeeze %dma_start3A_148 : memref<1x128xi32, #tpu.memory_space<vmem>> -> memref<128xi32, #tpu.memory_space<vmem>>
    %dma_start3A_150 = arith.constant 0 : i32
    %dma_start3A_151 = tpu.memref_slice %arg6[%dma_start3A_150] : memref<1000000xf32, #tpu.memory_space<hbm>> -> memref<1000000xf32, #tpu.memory_space<hbm>>
    tpu.enqueue_indirect_dma source(%dma_start3A_151 : memref<1000000xf32, #tpu.memory_space<hbm>>) target(%dma_start3A_146 : memref<128xf32, #tpu.memory_space<vmem>>) offsets(%dma_start3A_149 : memref<128xi32, #tpu.memory_space<vmem>>) semaphore(%arg19 : memref<!tpu.dma_semaphore, #tpu.memory_space<semaphore_mem>>)
    %dma_start3A_152 = arith.constant 3 : i32
    %dma_start3A_153 = arith.constant 3 : i32
    %dma_start3A_154 = arith.constant 0 : i32
    %dma_start3A_155 = tpu.memref_slice %arg16[%dma_start3A_153, %dma_start3A_154] : memref<4x128xf32, #tpu.memory_space<vmem>> -> memref<1x128xf32, #tpu.memory_space<vmem>>
    %dma_start3A_156 = tpu.memref_squeeze %dma_start3A_155 : memref<1x128xf32, #tpu.memory_space<vmem>> -> memref<128xf32, #tpu.memory_space<vmem>>
    %dma_start3A_157 = arith.constant 0 : i32
    %dma_start3A_158 = tpu.memref_slice %arg12[%dma_start3A_152, %dma_start3A_157] : memref<4x128xi32, #tpu.memory_space<vmem>> -> memref<1x128xi32, #tpu.memory_space<vmem>>
    %dma_start3A_159 = tpu.memref_squeeze %dma_start3A_158 : memref<1x128xi32, #tpu.memory_space<vmem>> -> memref<128xi32, #tpu.memory_space<vmem>>
    %dma_start3A_160 = arith.constant 0 : i32
    %dma_start3A_161 = tpu.memref_slice %arg7[%dma_start3A_160] : memref<1000000xf32, #tpu.memory_space<hbm>> -> memref<1000000xf32, #tpu.memory_space<hbm>>
    tpu.enqueue_indirect_dma source(%dma_start3A_161 : memref<1000000xf32, #tpu.memory_space<hbm>>) target(%dma_start3A_156 : memref<128xf32, #tpu.memory_space<vmem>>) offsets(%dma_start3A_159 : memref<128xi32, #tpu.memory_space<vmem>>) semaphore(%arg19 : memref<!tpu.dma_semaphore, #tpu.memory_space<semaphore_mem>>)
    %dma_wait3A = arith.constant 0 : i32
    %dma_wait3A_162 = arith.constant 0 : i32
    %dma_wait3A_163 = arith.constant 0 : i32
    %dma_wait3A_164 = tpu.memref_slice %arg13[%dma_wait3A_162, %dma_wait3A_163] : memref<512x32xf32, #tpu.memory_space<vmem>> -> memref<128x32xf32, #tpu.memory_space<vmem>>
    %dma_wait3A_165 = arith.constant 0 : i32
    %dma_wait3A_166 = tpu.memref_slice %arg11[%dma_wait3A, %dma_wait3A_165] : memref<4x128xi32, #tpu.memory_space<vmem>> -> memref<1x128xi32, #tpu.memory_space<vmem>>
    %dma_wait3A_167 = tpu.memref_squeeze %dma_wait3A_166 : memref<1x128xi32, #tpu.memory_space<vmem>> -> memref<128xi32, #tpu.memory_space<vmem>>
    %dma_wait3A_168 = arith.constant 0 : i32
    %dma_wait3A_169 = arith.constant 0 : i32
    %dma_wait3A_170 = tpu.memref_slice %arg4[%dma_wait3A_168, %dma_wait3A_169] : memref<1000000x32xf32, #tpu.memory_space<hbm>> -> memref<1000000x32xf32, #tpu.memory_space<hbm>>
    tpu.wait_indirect_dma semaphore(%arg18 : memref<!tpu.dma_semaphore, #tpu.memory_space<semaphore_mem>>) src(%dma_wait3A_170 : memref<1000000x32xf32, #tpu.memory_space<hbm>>) dst(%dma_wait3A_164 : memref<128x32xf32, #tpu.memory_space<vmem>>)
    %dma_wait3A_171 = arith.constant 0 : i32
    %dma_wait3A_172 = arith.constant 0 : i32
    %dma_wait3A_173 = arith.constant 0 : i32
    %dma_wait3A_174 = tpu.memref_slice %arg14[%dma_wait3A_172, %dma_wait3A_173] : memref<512x32xf32, #tpu.memory_space<vmem>> -> memref<128x32xf32, #tpu.memory_space<vmem>>
    %dma_wait3A_175 = arith.constant 0 : i32
    %dma_wait3A_176 = tpu.memref_slice %arg12[%dma_wait3A_171, %dma_wait3A_175] : memref<4x128xi32, #tpu.memory_space<vmem>> -> memref<1x128xi32, #tpu.memory_space<vmem>>
    %dma_wait3A_177 = tpu.memref_squeeze %dma_wait3A_176 : memref<1x128xi32, #tpu.memory_space<vmem>> -> memref<128xi32, #tpu.memory_space<vmem>>
    %dma_wait3A_178 = arith.constant 0 : i32
    %dma_wait3A_179 = arith.constant 0 : i32
    %dma_wait3A_180 = tpu.memref_slice %arg5[%dma_wait3A_178, %dma_wait3A_179] : memref<1000000x32xf32, #tpu.memory_space<hbm>> -> memref<1000000x32xf32, #tpu.memory_space<hbm>>
    tpu.wait_indirect_dma semaphore(%arg18 : memref<!tpu.dma_semaphore, #tpu.memory_space<semaphore_mem>>) src(%dma_wait3A_180 : memref<1000000x32xf32, #tpu.memory_space<hbm>>) dst(%dma_wait3A_174 : memref<128x32xf32, #tpu.memory_space<vmem>>)
    %dma_wait3A_181 = arith.constant 0 : i32
    %dma_wait3A_182 = arith.constant 0 : i32
    %dma_wait3A_183 = arith.constant 0 : i32
    %dma_wait3A_184 = tpu.memref_slice %arg15[%dma_wait3A_182, %dma_wait3A_183] : memref<4x128xf32, #tpu.memory_space<vmem>> -> memref<1x128xf32, #tpu.memory_space<vmem>>
    %dma_wait3A_185 = tpu.memref_squeeze %dma_wait3A_184 : memref<1x128xf32, #tpu.memory_space<vmem>> -> memref<128xf32, #tpu.memory_space<vmem>>
    %dma_wait3A_186 = arith.constant 0 : i32
    %dma_wait3A_187 = tpu.memref_slice %arg11[%dma_wait3A_181, %dma_wait3A_186] : memref<4x128xi32, #tpu.memory_space<vmem>> -> memref<1x128xi32, #tpu.memory_space<vmem>>
    %dma_wait3A_188 = tpu.memref_squeeze %dma_wait3A_187 : memref<1x128xi32, #tpu.memory_space<vmem>> -> memref<128xi32, #tpu.memory_space<vmem>>
    %dma_wait3A_189 = arith.constant 0 : i32
    %dma_wait3A_190 = tpu.memref_slice %arg6[%dma_wait3A_189] : memref<1000000xf32, #tpu.memory_space<hbm>> -> memref<1000000xf32, #tpu.memory_space<hbm>>
    tpu.wait_indirect_dma semaphore(%arg19 : memref<!tpu.dma_semaphore, #tpu.memory_space<semaphore_mem>>) src(%dma_wait3A_190 : memref<1000000xf32, #tpu.memory_space<hbm>>) dst(%dma_wait3A_185 : memref<128xf32, #tpu.memory_space<vmem>>)
    %dma_wait3A_191 = arith.constant 0 : i32
    %dma_wait3A_192 = arith.constant 0 : i32
    %dma_wait3A_193 = arith.constant 0 : i32
    %dma_wait3A_194 = tpu.memref_slice %arg16[%dma_wait3A_192, %dma_wait3A_193] : memref<4x128xf32, #tpu.memory_space<vmem>> -> memref<1x128xf32, #tpu.memory_space<vmem>>
    %dma_wait3A_195 = tpu.memref_squeeze %dma_wait3A_194 : memref<1x128xf32, #tpu.memory_space<vmem>> -> memref<128xf32, #tpu.memory_space<vmem>>
    %dma_wait3A_196 = arith.constant 0 : i32
    %dma_wait3A_197 = tpu.memref_slice %arg12[%dma_wait3A_191, %dma_wait3A_196] : memref<4x128xi32, #tpu.memory_space<vmem>> -> memref<1x128xi32, #tpu.memory_space<vmem>>
    %dma_wait3A_198 = tpu.memref_squeeze %dma_wait3A_197 : memref<1x128xi32, #tpu.memory_space<vmem>> -> memref<128xi32, #tpu.memory_space<vmem>>
    %dma_wait3A_199 = arith.constant 0 : i32
    %dma_wait3A_200 = tpu.memref_slice %arg7[%dma_wait3A_199] : memref<1000000xf32, #tpu.memory_space<hbm>> -> memref<1000000xf32, #tpu.memory_space<hbm>>
    tpu.wait_indirect_dma semaphore(%arg19 : memref<!tpu.dma_semaphore, #tpu.memory_space<semaphore_mem>>) src(%dma_wait3A_200 : memref<1000000xf32, #tpu.memory_space<hbm>>) dst(%dma_wait3A_195 : memref<128xf32, #tpu.memory_space<vmem>>)
    %dma_wait3A_201 = arith.constant 1 : i32
    %dma_wait3A_202 = arith.constant 128 : i32
    %dma_wait3A_203 = arith.constant 0 : i32
    %dma_wait3A_204 = tpu.memref_slice %arg13[%dma_wait3A_202, %dma_wait3A_203] : memref<512x32xf32, #tpu.memory_space<vmem>> -> memref<128x32xf32, #tpu.memory_space<vmem>>
    %dma_wait3A_205 = arith.constant 0 : i32
    %dma_wait3A_206 = tpu.memref_slice %arg11[%dma_wait3A_201, %dma_wait3A_205] : memref<4x128xi32, #tpu.memory_space<vmem>> -> memref<1x128xi32, #tpu.memory_space<vmem>>
    %dma_wait3A_207 = tpu.memref_squeeze %dma_wait3A_206 : memref<1x128xi32, #tpu.memory_space<vmem>> -> memref<128xi32, #tpu.memory_space<vmem>>
    %dma_wait3A_208 = arith.constant 0 : i32
    %dma_wait3A_209 = arith.constant 0 : i32
    %dma_wait3A_210 = tpu.memref_slice %arg4[%dma_wait3A_208, %dma_wait3A_209] : memref<1000000x32xf32, #tpu.memory_space<hbm>> -> memref<1000000x32xf32, #tpu.memory_space<hbm>>
    tpu.wait_indirect_dma semaphore(%arg18 : memref<!tpu.dma_semaphore, #tpu.memory_space<semaphore_mem>>) src(%dma_wait3A_210 : memref<1000000x32xf32, #tpu.memory_space<hbm>>) dst(%dma_wait3A_204 : memref<128x32xf32, #tpu.memory_space<vmem>>)
    %dma_wait3A_211 = arith.constant 1 : i32
    %dma_wait3A_212 = arith.constant 128 : i32
    %dma_wait3A_213 = arith.constant 0 : i32
    %dma_wait3A_214 = tpu.memref_slice %arg14[%dma_wait3A_212, %dma_wait3A_213] : memref<512x32xf32, #tpu.memory_space<vmem>> -> memref<128x32xf32, #tpu.memory_space<vmem>>
    %dma_wait3A_215 = arith.constant 0 : i32
    %dma_wait3A_216 = tpu.memref_slice %arg12[%dma_wait3A_211, %dma_wait3A_215] : memref<4x128xi32, #tpu.memory_space<vmem>> -> memref<1x128xi32, #tpu.memory_space<vmem>>
    %dma_wait3A_217 = tpu.memref_squeeze %dma_wait3A_216 : memref<1x128xi32, #tpu.memory_space<vmem>> -> memref<128xi32, #tpu.memory_space<vmem>>
    %dma_wait3A_218 = arith.constant 0 : i32
    %dma_wait3A_219 = arith.constant 0 : i32
    %dma_wait3A_220 = tpu.memref_slice %arg5[%dma_wait3A_218, %dma_wait3A_219] : memref<1000000x32xf32, #tpu.memory_space<hbm>> -> memref<1000000x32xf32, #tpu.memory_space<hbm>>
    tpu.wait_indirect_dma semaphore(%arg18 : memref<!tpu.dma_semaphore, #tpu.memory_space<semaphore_mem>>) src(%dma_wait3A_220 : memref<1000000x32xf32, #tpu.memory_space<hbm>>) dst(%dma_wait3A_214 : memref<128x32xf32, #tpu.memory_space<vmem>>)
    %dma_wait3A_221 = arith.constant 1 : i32
    %dma_wait3A_222 = arith.constant 1 : i32
    %dma_wait3A_223 = arith.constant 0 : i32
    %dma_wait3A_224 = tpu.memref_slice %arg15[%dma_wait3A_222, %dma_wait3A_223] : memref<4x128xf32, #tpu.memory_space<vmem>> -> memref<1x128xf32, #tpu.memory_space<vmem>>
    %dma_wait3A_225 = tpu.memref_squeeze %dma_wait3A_224 : memref<1x128xf32, #tpu.memory_space<vmem>> -> memref<128xf32, #tpu.memory_space<vmem>>
    %dma_wait3A_226 = arith.constant 0 : i32
    %dma_wait3A_227 = tpu.memref_slice %arg11[%dma_wait3A_221, %dma_wait3A_226] : memref<4x128xi32, #tpu.memory_space<vmem>> -> memref<1x128xi32, #tpu.memory_space<vmem>>
    %dma_wait3A_228 = tpu.memref_squeeze %dma_wait3A_227 : memref<1x128xi32, #tpu.memory_space<vmem>> -> memref<128xi32, #tpu.memory_space<vmem>>
    %dma_wait3A_229 = arith.constant 0 : i32
    %dma_wait3A_230 = tpu.memref_slice %arg6[%dma_wait3A_229] : memref<1000000xf32, #tpu.memory_space<hbm>> -> memref<1000000xf32, #tpu.memory_space<hbm>>
    tpu.wait_indirect_dma semaphore(%arg19 : memref<!tpu.dma_semaphore, #tpu.memory_space<semaphore_mem>>) src(%dma_wait3A_230 : memref<1000000xf32, #tpu.memory_space<hbm>>) dst(%dma_wait3A_225 : memref<128xf32, #tpu.memory_space<vmem>>)
    %dma_wait3A_231 = arith.constant 1 : i32
    %dma_wait3A_232 = arith.constant 1 : i32
    %dma_wait3A_233 = arith.constant 0 : i32
    %dma_wait3A_234 = tpu.memref_slice %arg16[%dma_wait3A_232, %dma_wait3A_233] : memref<4x128xf32, #tpu.memory_space<vmem>> -> memref<1x128xf32, #tpu.memory_space<vmem>>
    %dma_wait3A_235 = tpu.memref_squeeze %dma_wait3A_234 : memref<1x128xf32, #tpu.memory_space<vmem>> -> memref<128xf32, #tpu.memory_space<vmem>>
    %dma_wait3A_236 = arith.constant 0 : i32
    %dma_wait3A_237 = tpu.memref_slice %arg12[%dma_wait3A_231, %dma_wait3A_236] : memref<4x128xi32, #tpu.memory_space<vmem>> -> memref<1x128xi32, #tpu.memory_space<vmem>>
    %dma_wait3A_238 = tpu.memref_squeeze %dma_wait3A_237 : memref<1x128xi32, #tpu.memory_space<vmem>> -> memref<128xi32, #tpu.memory_space<vmem>>
    %dma_wait3A_239 = arith.constant 0 : i32
    %dma_wait3A_240 = tpu.memref_slice %arg7[%dma_wait3A_239] : memref<1000000xf32, #tpu.memory_space<hbm>> -> memref<1000000xf32, #tpu.memory_space<hbm>>
    tpu.wait_indirect_dma semaphore(%arg19 : memref<!tpu.dma_semaphore, #tpu.memory_space<semaphore_mem>>) src(%dma_wait3A_240 : memref<1000000xf32, #tpu.memory_space<hbm>>) dst(%dma_wait3A_235 : memref<128xf32, #tpu.memory_space<vmem>>)
    %dma_wait3A_241 = arith.constant 2 : i32
    %dma_wait3A_242 = arith.constant 256 : i32
    %dma_wait3A_243 = arith.constant 0 : i32
    %dma_wait3A_244 = tpu.memref_slice %arg13[%dma_wait3A_242, %dma_wait3A_243] : memref<512x32xf32, #tpu.memory_space<vmem>> -> memref<128x32xf32, #tpu.memory_space<vmem>>
    %dma_wait3A_245 = arith.constant 0 : i32
    %dma_wait3A_246 = tpu.memref_slice %arg11[%dma_wait3A_241, %dma_wait3A_245] : memref<4x128xi32, #tpu.memory_space<vmem>> -> memref<1x128xi32, #tpu.memory_space<vmem>>
    %dma_wait3A_247 = tpu.memref_squeeze %dma_wait3A_246 : memref<1x128xi32, #tpu.memory_space<vmem>> -> memref<128xi32, #tpu.memory_space<vmem>>
    %dma_wait3A_248 = arith.constant 0 : i32
    %dma_wait3A_249 = arith.constant 0 : i32
    %dma_wait3A_250 = tpu.memref_slice %arg4[%dma_wait3A_248, %dma_wait3A_249] : memref<1000000x32xf32, #tpu.memory_space<hbm>> -> memref<1000000x32xf32, #tpu.memory_space<hbm>>
    tpu.wait_indirect_dma semaphore(%arg18 : memref<!tpu.dma_semaphore, #tpu.memory_space<semaphore_mem>>) src(%dma_wait3A_250 : memref<1000000x32xf32, #tpu.memory_space<hbm>>) dst(%dma_wait3A_244 : memref<128x32xf32, #tpu.memory_space<vmem>>)
    %dma_wait3A_251 = arith.constant 2 : i32
    %dma_wait3A_252 = arith.constant 256 : i32
    %dma_wait3A_253 = arith.constant 0 : i32
    %dma_wait3A_254 = tpu.memref_slice %arg14[%dma_wait3A_252, %dma_wait3A_253] : memref<512x32xf32, #tpu.memory_space<vmem>> -> memref<128x32xf32, #tpu.memory_space<vmem>>
    %dma_wait3A_255 = arith.constant 0 : i32
    %dma_wait3A_256 = tpu.memref_slice %arg12[%dma_wait3A_251, %dma_wait3A_255] : memref<4x128xi32, #tpu.memory_space<vmem>> -> memref<1x128xi32, #tpu.memory_space<vmem>>
    %dma_wait3A_257 = tpu.memref_squeeze %dma_wait3A_256 : memref<1x128xi32, #tpu.memory_space<vmem>> -> memref<128xi32, #tpu.memory_space<vmem>>
    %dma_wait3A_258 = arith.constant 0 : i32
    %dma_wait3A_259 = arith.constant 0 : i32
    %dma_wait3A_260 = tpu.memref_slice %arg5[%dma_wait3A_258, %dma_wait3A_259] : memref<1000000x32xf32, #tpu.memory_space<hbm>> -> memref<1000000x32xf32, #tpu.memory_space<hbm>>
    tpu.wait_indirect_dma semaphore(%arg18 : memref<!tpu.dma_semaphore, #tpu.memory_space<semaphore_mem>>) src(%dma_wait3A_260 : memref<1000000x32xf32, #tpu.memory_space<hbm>>) dst(%dma_wait3A_254 : memref<128x32xf32, #tpu.memory_space<vmem>>)
    %dma_wait3A_261 = arith.constant 2 : i32
    %dma_wait3A_262 = arith.constant 2 : i32
    %dma_wait3A_263 = arith.constant 0 : i32
    %dma_wait3A_264 = tpu.memref_slice %arg15[%dma_wait3A_262, %dma_wait3A_263] : memref<4x128xf32, #tpu.memory_space<vmem>> -> memref<1x128xf32, #tpu.memory_space<vmem>>
    %dma_wait3A_265 = tpu.memref_squeeze %dma_wait3A_264 : memref<1x128xf32, #tpu.memory_space<vmem>> -> memref<128xf32, #tpu.memory_space<vmem>>
    %dma_wait3A_266 = arith.constant 0 : i32
    %dma_wait3A_267 = tpu.memref_slice %arg11[%dma_wait3A_261, %dma_wait3A_266] : memref<4x128xi32, #tpu.memory_space<vmem>> -> memref<1x128xi32, #tpu.memory_space<vmem>>
    %dma_wait3A_268 = tpu.memref_squeeze %dma_wait3A_267 : memref<1x128xi32, #tpu.memory_space<vmem>> -> memref<128xi32, #tpu.memory_space<vmem>>
    %dma_wait3A_269 = arith.constant 0 : i32
    %dma_wait3A_270 = tpu.memref_slice %arg6[%dma_wait3A_269] : memref<1000000xf32, #tpu.memory_space<hbm>> -> memref<1000000xf32, #tpu.memory_space<hbm>>
    tpu.wait_indirect_dma semaphore(%arg19 : memref<!tpu.dma_semaphore, #tpu.memory_space<semaphore_mem>>) src(%dma_wait3A_270 : memref<1000000xf32, #tpu.memory_space<hbm>>) dst(%dma_wait3A_265 : memref<128xf32, #tpu.memory_space<vmem>>)
    %dma_wait3A_271 = arith.constant 2 : i32
    %dma_wait3A_272 = arith.constant 2 : i32
    %dma_wait3A_273 = arith.constant 0 : i32
    %dma_wait3A_274 = tpu.memref_slice %arg16[%dma_wait3A_272, %dma_wait3A_273] : memref<4x128xf32, #tpu.memory_space<vmem>> -> memref<1x128xf32, #tpu.memory_space<vmem>>
    %dma_wait3A_275 = tpu.memref_squeeze %dma_wait3A_274 : memref<1x128xf32, #tpu.memory_space<vmem>> -> memref<128xf32, #tpu.memory_space<vmem>>
    %dma_wait3A_276 = arith.constant 0 : i32
    %dma_wait3A_277 = tpu.memref_slice %arg12[%dma_wait3A_271, %dma_wait3A_276] : memref<4x128xi32, #tpu.memory_space<vmem>> -> memref<1x128xi32, #tpu.memory_space<vmem>>
    %dma_wait3A_278 = tpu.memref_squeeze %dma_wait3A_277 : memref<1x128xi32, #tpu.memory_space<vmem>> -> memref<128xi32, #tpu.memory_space<vmem>>
    %dma_wait3A_279 = arith.constant 0 : i32
    %dma_wait3A_280 = tpu.memref_slice %arg7[%dma_wait3A_279] : memref<1000000xf32, #tpu.memory_space<hbm>> -> memref<1000000xf32, #tpu.memory_space<hbm>>
    tpu.wait_indirect_dma semaphore(%arg19 : memref<!tpu.dma_semaphore, #tpu.memory_space<semaphore_mem>>) src(%dma_wait3A_280 : memref<1000000xf32, #tpu.memory_space<hbm>>) dst(%dma_wait3A_275 : memref<128xf32, #tpu.memory_space<vmem>>)
    %dma_wait3A_281 = arith.constant 3 : i32
    %dma_wait3A_282 = arith.constant 384 : i32
    %dma_wait3A_283 = arith.constant 0 : i32
    %dma_wait3A_284 = tpu.memref_slice %arg13[%dma_wait3A_282, %dma_wait3A_283] : memref<512x32xf32, #tpu.memory_space<vmem>> -> memref<128x32xf32, #tpu.memory_space<vmem>>
    %dma_wait3A_285 = arith.constant 0 : i32
    %dma_wait3A_286 = tpu.memref_slice %arg11[%dma_wait3A_281, %dma_wait3A_285] : memref<4x128xi32, #tpu.memory_space<vmem>> -> memref<1x128xi32, #tpu.memory_space<vmem>>
    %dma_wait3A_287 = tpu.memref_squeeze %dma_wait3A_286 : memref<1x128xi32, #tpu.memory_space<vmem>> -> memref<128xi32, #tpu.memory_space<vmem>>
    %dma_wait3A_288 = arith.constant 0 : i32
    %dma_wait3A_289 = arith.constant 0 : i32
    %dma_wait3A_290 = tpu.memref_slice %arg4[%dma_wait3A_288, %dma_wait3A_289] : memref<1000000x32xf32, #tpu.memory_space<hbm>> -> memref<1000000x32xf32, #tpu.memory_space<hbm>>
    tpu.wait_indirect_dma semaphore(%arg18 : memref<!tpu.dma_semaphore, #tpu.memory_space<semaphore_mem>>) src(%dma_wait3A_290 : memref<1000000x32xf32, #tpu.memory_space<hbm>>) dst(%dma_wait3A_284 : memref<128x32xf32, #tpu.memory_space<vmem>>)
    %dma_wait3A_291 = arith.constant 3 : i32
    %dma_wait3A_292 = arith.constant 384 : i32
    %dma_wait3A_293 = arith.constant 0 : i32
    %dma_wait3A_294 = tpu.memref_slice %arg14[%dma_wait3A_292, %dma_wait3A_293] : memref<512x32xf32, #tpu.memory_space<vmem>> -> memref<128x32xf32, #tpu.memory_space<vmem>>
    %dma_wait3A_295 = arith.constant 0 : i32
    %dma_wait3A_296 = tpu.memref_slice %arg12[%dma_wait3A_291, %dma_wait3A_295] : memref<4x128xi32, #tpu.memory_space<vmem>> -> memref<1x128xi32, #tpu.memory_space<vmem>>
    %dma_wait3A_297 = tpu.memref_squeeze %dma_wait3A_296 : memref<1x128xi32, #tpu.memory_space<vmem>> -> memref<128xi32, #tpu.memory_space<vmem>>
    %dma_wait3A_298 = arith.constant 0 : i32
    %dma_wait3A_299 = arith.constant 0 : i32
    %dma_wait3A_300 = tpu.memref_slice %arg5[%dma_wait3A_298, %dma_wait3A_299] : memref<1000000x32xf32, #tpu.memory_space<hbm>> -> memref<1000000x32xf32, #tpu.memory_space<hbm>>
    tpu.wait_indirect_dma semaphore(%arg18 : memref<!tpu.dma_semaphore, #tpu.memory_space<semaphore_mem>>) src(%dma_wait3A_300 : memref<1000000x32xf32, #tpu.memory_space<hbm>>) dst(%dma_wait3A_294 : memref<128x32xf32, #tpu.memory_space<vmem>>)
    %dma_wait3A_301 = arith.constant 3 : i32
    %dma_wait3A_302 = arith.constant 3 : i32
    %dma_wait3A_303 = arith.constant 0 : i32
    %dma_wait3A_304 = tpu.memref_slice %arg15[%dma_wait3A_302, %dma_wait3A_303] : memref<4x128xf32, #tpu.memory_space<vmem>> -> memref<1x128xf32, #tpu.memory_space<vmem>>
    %dma_wait3A_305 = tpu.memref_squeeze %dma_wait3A_304 : memref<1x128xf32, #tpu.memory_space<vmem>> -> memref<128xf32, #tpu.memory_space<vmem>>
    %dma_wait3A_306 = arith.constant 0 : i32
    %dma_wait3A_307 = tpu.memref_slice %arg11[%dma_wait3A_301, %dma_wait3A_306] : memref<4x128xi32, #tpu.memory_space<vmem>> -> memref<1x128xi32, #tpu.memory_space<vmem>>
    %dma_wait3A_308 = tpu.memref_squeeze %dma_wait3A_307 : memref<1x128xi32, #tpu.memory_space<vmem>> -> memref<128xi32, #tpu.memory_space<vmem>>
    %dma_wait3A_309 = arith.constant 0 : i32
    %dma_wait3A_310 = tpu.memref_slice %arg6[%dma_wait3A_309] : memref<1000000xf32, #tpu.memory_space<hbm>> -> memref<1000000xf32, #tpu.memory_space<hbm>>
    tpu.wait_indirect_dma semaphore(%arg19 : memref<!tpu.dma_semaphore, #tpu.memory_space<semaphore_mem>>) src(%dma_wait3A_310 : memref<1000000xf32, #tpu.memory_space<hbm>>) dst(%dma_wait3A_305 : memref<128xf32, #tpu.memory_space<vmem>>)
    %dma_wait3A_311 = arith.constant 3 : i32
    %dma_wait3A_312 = arith.constant 3 : i32
    %dma_wait3A_313 = arith.constant 0 : i32
    %dma_wait3A_314 = tpu.memref_slice %arg16[%dma_wait3A_312, %dma_wait3A_313] : memref<4x128xf32, #tpu.memory_space<vmem>> -> memref<1x128xf32, #tpu.memory_space<vmem>>
    %dma_wait3A_315 = tpu.memref_squeeze %dma_wait3A_314 : memref<1x128xf32, #tpu.memory_space<vmem>> -> memref<128xf32, #tpu.memory_space<vmem>>
    %dma_wait3A_316 = arith.constant 0 : i32
    %dma_wait3A_317 = tpu.memref_slice %arg12[%dma_wait3A_311, %dma_wait3A_316] : memref<4x128xi32, #tpu.memory_space<vmem>> -> memref<1x128xi32, #tpu.memory_space<vmem>>
    %dma_wait3A_318 = tpu.memref_squeeze %dma_wait3A_317 : memref<1x128xi32, #tpu.memory_space<vmem>> -> memref<128xi32, #tpu.memory_space<vmem>>
    %dma_wait3A_319 = arith.constant 0 : i32
    %dma_wait3A_320 = tpu.memref_slice %arg7[%dma_wait3A_319] : memref<1000000xf32, #tpu.memory_space<hbm>> -> memref<1000000xf32, #tpu.memory_space<hbm>>
    tpu.wait_indirect_dma semaphore(%arg19 : memref<!tpu.dma_semaphore, #tpu.memory_space<semaphore_mem>>) src(%dma_wait3A_320 : memref<1000000xf32, #tpu.memory_space<hbm>>) dst(%dma_wait3A_315 : memref<128xf32, #tpu.memory_space<vmem>>)
    "tpu.region"() ({
      %run_scoped3A = tpu.sem_alloc : memref<!tpu.dma_semaphore, #tpu.memory_space<semaphore_mem>>
      %dma_start3A_783 = arith.constant 0 : i32
      %dma_start3A_784 = tpu.memref_slice %arg9[%mul3A_2, %dma_start3A_783] : memref<128x128xf32, #tpu.memory_space<hbm>> -> memref<4x128xf32, #tpu.memory_space<hbm>>
      %dma_start3A_785 = arith.constant 0 : i32
      %dma_start3A_786 = tpu.memref_slice %arg9[%mul3A_2, %dma_start3A_785] : memref<128x128xf32, #tpu.memory_space<hbm>> -> memref<4x128xf32, #tpu.memory_space<hbm>>
      tpu.enqueue_dma source(%arg15 : memref<4x128xf32, #tpu.memory_space<vmem>>) target(%dma_start3A_786 : memref<4x128xf32, #tpu.memory_space<hbm>>) target_semaphore(%run_scoped3A : memref<!tpu.dma_semaphore, #tpu.memory_space<semaphore_mem>>)
      %dma_wait3A_787 = arith.constant 0 : i32
      %dma_wait3A_788 = tpu.memref_slice %arg9[%mul3A_2, %dma_wait3A_787] : memref<128x128xf32, #tpu.memory_space<hbm>> -> memref<4x128xf32, #tpu.memory_space<hbm>>
      %dma_wait3A_789 = arith.constant 0 : i32
      %dma_wait3A_790 = tpu.memref_slice %arg9[%mul3A_2, %dma_wait3A_789] : memref<128x128xf32, #tpu.memory_space<hbm>> -> memref<4x128xf32, #tpu.memory_space<hbm>>
      tpu.wait_dma2 semaphore(%run_scoped3A : memref<!tpu.dma_semaphore, #tpu.memory_space<semaphore_mem>>) src(%arg15 : memref<4x128xf32, #tpu.memory_space<vmem>>) dst(%dma_wait3A_790 : memref<4x128xf32, #tpu.memory_space<hbm>>)
      tpu.yield
    }) : () -> ()
    "tpu.region"() ({
      %run_scoped3A = tpu.sem_alloc : memref<!tpu.dma_semaphore, #tpu.memory_space<semaphore_mem>>
      %dma_start3A_783 = arith.constant 0 : i32
      %dma_start3A_784 = tpu.memref_slice %arg10[%mul3A_2, %dma_start3A_783] : memref<128x128xf32, #tpu.memory_space<hbm>> -> memref<4x128xf32, #tpu.memory_space<hbm>>
      %dma_start3A_785 = arith.constant 0 : i32
      %dma_start3A_786 = tpu.memref_slice %arg10[%mul3A_2, %dma_start3A_785] : memref<128x128xf32, #tpu.memory_space<hbm>> -> memref<4x128xf32, #tpu.memory_space<hbm>>
      tpu.enqueue_dma source(%arg16 : memref<4x128xf32, #tpu.memory_space<vmem>>) target(%dma_start3A_786 : memref<4x128xf32, #tpu.memory_space<hbm>>) target_semaphore(%run_scoped3A : memref<!tpu.dma_semaphore, #tpu.memory_space<semaphore_mem>>)
      %dma_wait3A_787 = arith.constant 0 : i32
      %dma_wait3A_788 = tpu.memref_slice %arg10[%mul3A_2, %dma_wait3A_787] : memref<128x128xf32, #tpu.memory_space<hbm>> -> memref<4x128xf32, #tpu.memory_space<hbm>>
      %dma_wait3A_789 = arith.constant 0 : i32
      %dma_wait3A_790 = tpu.memref_slice %arg10[%mul3A_2, %dma_wait3A_789] : memref<128x128xf32, #tpu.memory_space<hbm>> -> memref<4x128xf32, #tpu.memory_space<hbm>>
      tpu.wait_dma2 semaphore(%run_scoped3A : memref<!tpu.dma_semaphore, #tpu.memory_space<semaphore_mem>>) src(%arg16 : memref<4x128xf32, #tpu.memory_space<vmem>>) dst(%dma_wait3A_790 : memref<4x128xf32, #tpu.memory_space<hbm>>)
      tpu.yield
    }) : () -> ()
    %broadcast_in_dim3A = arith.constant 0.000000e+00 : f32
    %broadcast_in_dim3A_321 = vector.broadcast %broadcast_in_dim3A : f32 to vector<16xf32>
    %get3A = arith.constant 0 : i32
    %get3A_322 = arith.index_cast %get3A : i32 to index
    %get3A_323 = arith.constant 0 : index
    %get3A_324 = tpu.vector_load %arg15[%get3A_322, %get3A_323] {strides = array<i32>} : memref<4x128xf32, #tpu.memory_space<vmem>>, vector<1x16xf32>,
    %get3A_325 = vector.shape_cast %get3A_324 : vector<1x16xf32> to vector<16xf32>
    %get3A_326 = arith.constant 0 : i32
    %get3A_327 = arith.index_cast %get3A_326 : i32 to index
    %get3A_328 = arith.constant 0 : index
    %get3A_329 = tpu.vector_load %arg16[%get3A_327, %get3A_328] {strides = array<i32>} : memref<4x128xf32, #tpu.memory_space<vmem>>, vector<1x16xf32>,
    %get3A_330 = vector.shape_cast %get3A_329 : vector<1x16xf32> to vector<16xf32>
    %mul3A_331 = arith.mulf %get3A_325, %get3A_325 : vector<16xf32>
    %add3A_332 = arith.addf %broadcast_in_dim3A_321, %mul3A_331 : vector<16xf32>
    %mul3A_333 = arith.mulf %get3A_330, %get3A_330 : vector<16xf32>
    %add3A_334 = arith.addf %add3A_332, %mul3A_333 : vector<16xf32>
    %get3A_335 = arith.constant 0 : i32
    %get3A_336 = arith.index_cast %get3A_335 : i32 to index
    %get3A_337 = arith.constant 16 : index
    %get3A_338 = tpu.vector_load %arg15[%get3A_336, %get3A_337] {strides = array<i32>} : memref<4x128xf32, #tpu.memory_space<vmem>>, vector<1x16xf32>,
    %get3A_339 = vector.shape_cast %get3A_338 : vector<1x16xf32> to vector<16xf32>
    %get3A_340 = arith.constant 0 : i32
    %get3A_341 = arith.index_cast %get3A_340 : i32 to index
    %get3A_342 = arith.constant 16 : index
    %get3A_343 = tpu.vector_load %arg16[%get3A_341, %get3A_342] {strides = array<i32>} : memref<4x128xf32, #tpu.memory_space<vmem>>, vector<1x16xf32>,
    %get3A_344 = vector.shape_cast %get3A_343 : vector<1x16xf32> to vector<16xf32>
    %mul3A_345 = arith.mulf %get3A_339, %get3A_339 : vector<16xf32>
    %add3A_346 = arith.addf %add3A_334, %mul3A_345 : vector<16xf32>
    %mul3A_347 = arith.mulf %get3A_344, %get3A_344 : vector<16xf32>
    %add3A_348 = arith.addf %add3A_346, %mul3A_347 : vector<16xf32>
    %get3A_349 = arith.constant 0 : i32
    %get3A_350 = arith.index_cast %get3A_349 : i32 to index
    %get3A_351 = arith.constant 32 : index
    %get3A_352 = tpu.vector_load %arg15[%get3A_350, %get3A_351] {strides = array<i32>} : memref<4x128xf32, #tpu.memory_space<vmem>>, vector<1x16xf32>,
    %get3A_353 = vector.shape_cast %get3A_352 : vector<1x16xf32> to vector<16xf32>
    %get3A_354 = arith.constant 0 : i32
    %get3A_355 = arith.index_cast %get3A_354 : i32 to index
    %get3A_356 = arith.constant 32 : index
    %get3A_357 = tpu.vector_load %arg16[%get3A_355, %get3A_356] {strides = array<i32>} : memref<4x128xf32, #tpu.memory_space<vmem>>, vector<1x16xf32>,
    %get3A_358 = vector.shape_cast %get3A_357 : vector<1x16xf32> to vector<16xf32>
    %mul3A_359 = arith.mulf %get3A_353, %get3A_353 : vector<16xf32>
    %add3A_360 = arith.addf %add3A_348, %mul3A_359 : vector<16xf32>
    %mul3A_361 = arith.mulf %get3A_358, %get3A_358 : vector<16xf32>
    %add3A_362 = arith.addf %add3A_360, %mul3A_361 : vector<16xf32>
    %get3A_363 = arith.constant 0 : i32
    %get3A_364 = arith.index_cast %get3A_363 : i32 to index
    %get3A_365 = arith.constant 48 : index
    %get3A_366 = tpu.vector_load %arg15[%get3A_364, %get3A_365] {strides = array<i32>} : memref<4x128xf32, #tpu.memory_space<vmem>>, vector<1x16xf32>,
    %get3A_367 = vector.shape_cast %get3A_366 : vector<1x16xf32> to vector<16xf32>
    %get3A_368 = arith.constant 0 : i32
    %get3A_369 = arith.index_cast %get3A_368 : i32 to index
    %get3A_370 = arith.constant 48 : index
    %get3A_371 = tpu.vector_load %arg16[%get3A_369, %get3A_370] {strides = array<i32>} : memref<4x128xf32, #tpu.memory_space<vmem>>, vector<1x16xf32>,
    %get3A_372 = vector.shape_cast %get3A_371 : vector<1x16xf32> to vector<16xf32>
    %mul3A_373 = arith.mulf %get3A_367, %get3A_367 : vector<16xf32>
    %add3A_374 = arith.addf %add3A_362, %mul3A_373 : vector<16xf32>
    %mul3A_375 = arith.mulf %get3A_372, %get3A_372 : vector<16xf32>
    %add3A_376 = arith.addf %add3A_374, %mul3A_375 : vector<16xf32>
    %get3A_377 = arith.constant 0 : i32
    %get3A_378 = arith.index_cast %get3A_377 : i32 to index
    %get3A_379 = arith.constant 64 : index
    %get3A_380 = tpu.vector_load %arg15[%get3A_378, %get3A_379] {strides = array<i32>} : memref<4x128xf32, #tpu.memory_space<vmem>>, vector<1x16xf32>,
    %get3A_381 = vector.shape_cast %get3A_380 : vector<1x16xf32> to vector<16xf32>
    %get3A_382 = arith.constant 0 : i32
    %get3A_383 = arith.index_cast %get3A_382 : i32 to index
    %get3A_384 = arith.constant 64 : index
    %get3A_385 = tpu.vector_load %arg16[%get3A_383, %get3A_384] {strides = array<i32>} : memref<4x128xf32, #tpu.memory_space<vmem>>, vector<1x16xf32>,
    %get3A_386 = vector.shape_cast %get3A_385 : vector<1x16xf32> to vector<16xf32>
    %mul3A_387 = arith.mulf %get3A_381, %get3A_381 : vector<16xf32>
    %add3A_388 = arith.addf %add3A_376, %mul3A_387 : vector<16xf32>
    %mul3A_389 = arith.mulf %get3A_386, %get3A_386 : vector<16xf32>
    %add3A_390 = arith.addf %add3A_388, %mul3A_389 : vector<16xf32>
    %get3A_391 = arith.constant 0 : i32
    %get3A_392 = arith.index_cast %get3A_391 : i32 to index
    %get3A_393 = arith.constant 80 : index
    %get3A_394 = tpu.vector_load %arg15[%get3A_392, %get3A_393] {strides = array<i32>} : memref<4x128xf32, #tpu.memory_space<vmem>>, vector<1x16xf32>,
    %get3A_395 = vector.shape_cast %get3A_394 : vector<1x16xf32> to vector<16xf32>
    %get3A_396 = arith.constant 0 : i32
    %get3A_397 = arith.index_cast %get3A_396 : i32 to index
    %get3A_398 = arith.constant 80 : index
    %get3A_399 = tpu.vector_load %arg16[%get3A_397, %get3A_398] {strides = array<i32>} : memref<4x128xf32, #tpu.memory_space<vmem>>, vector<1x16xf32>,
    %get3A_400 = vector.shape_cast %get3A_399 : vector<1x16xf32> to vector<16xf32>
    %mul3A_401 = arith.mulf %get3A_395, %get3A_395 : vector<16xf32>
    %add3A_402 = arith.addf %add3A_390, %mul3A_401 : vector<16xf32>
    %mul3A_403 = arith.mulf %get3A_400, %get3A_400 : vector<16xf32>
    %add3A_404 = arith.addf %add3A_402, %mul3A_403 : vector<16xf32>
    %get3A_405 = arith.constant 0 : i32
    %get3A_406 = arith.index_cast %get3A_405 : i32 to index
    %get3A_407 = arith.constant 96 : index
    %get3A_408 = tpu.vector_load %arg15[%get3A_406, %get3A_407] {strides = array<i32>} : memref<4x128xf32, #tpu.memory_space<vmem>>, vector<1x16xf32>,
    %get3A_409 = vector.shape_cast %get3A_408 : vector<1x16xf32> to vector<16xf32>
    %get3A_410 = arith.constant 0 : i32
    %get3A_411 = arith.index_cast %get3A_410 : i32 to index
    %get3A_412 = arith.constant 96 : index
    %get3A_413 = tpu.vector_load %arg16[%get3A_411, %get3A_412] {strides = array<i32>} : memref<4x128xf32, #tpu.memory_space<vmem>>, vector<1x16xf32>,
    %get3A_414 = vector.shape_cast %get3A_413 : vector<1x16xf32> to vector<16xf32>
    %mul3A_415 = arith.mulf %get3A_409, %get3A_409 : vector<16xf32>
    %add3A_416 = arith.addf %add3A_404, %mul3A_415 : vector<16xf32>
    %mul3A_417 = arith.mulf %get3A_414, %get3A_414 : vector<16xf32>
    %add3A_418 = arith.addf %add3A_416, %mul3A_417 : vector<16xf32>
    %get3A_419 = arith.constant 0 : i32
    %get3A_420 = arith.index_cast %get3A_419 : i32 to index
    %get3A_421 = arith.constant 112 : index
    %get3A_422 = tpu.vector_load %arg15[%get3A_420, %get3A_421] {strides = array<i32>} : memref<4x128xf32, #tpu.memory_space<vmem>>, vector<1x16xf32>,
    %get3A_423 = vector.shape_cast %get3A_422 : vector<1x16xf32> to vector<16xf32>
    %get3A_424 = arith.constant 0 : i32
    %get3A_425 = arith.index_cast %get3A_424 : i32 to index
    %get3A_426 = arith.constant 112 : index
    %get3A_427 = tpu.vector_load %arg16[%get3A_425, %get3A_426] {strides = array<i32>} : memref<4x128xf32, #tpu.memory_space<vmem>>, vector<1x16xf32>,
    %get3A_428 = vector.shape_cast %get3A_427 : vector<1x16xf32> to vector<16xf32>
    %mul3A_429 = arith.mulf %get3A_423, %get3A_423 : vector<16xf32>
    %add3A_430 = arith.addf %add3A_418, %mul3A_429 : vector<16xf32>
    %mul3A_431 = arith.mulf %get3A_428, %get3A_428 : vector<16xf32>
    %add3A_432 = arith.addf %add3A_430, %mul3A_431 : vector<16xf32>
    %get3A_433 = arith.constant 1 : i32
    %get3A_434 = arith.index_cast %get3A_433 : i32 to index
    %get3A_435 = arith.constant 0 : index
    %get3A_436 = tpu.vector_load %arg15[%get3A_434, %get3A_435] {strides = array<i32>} : memref<4x128xf32, #tpu.memory_space<vmem>>, vector<1x16xf32>,
    %get3A_437 = vector.shape_cast %get3A_436 : vector<1x16xf32> to vector<16xf32>
    %get3A_438 = arith.constant 1 : i32
    %get3A_439 = arith.index_cast %get3A_438 : i32 to index
    %get3A_440 = arith.constant 0 : index
    %get3A_441 = tpu.vector_load %arg16[%get3A_439, %get3A_440] {strides = array<i32>} : memref<4x128xf32, #tpu.memory_space<vmem>>, vector<1x16xf32>,
    %get3A_442 = vector.shape_cast %get3A_441 : vector<1x16xf32> to vector<16xf32>
    %mul3A_443 = arith.mulf %get3A_437, %get3A_437 : vector<16xf32>
    %add3A_444 = arith.addf %add3A_432, %mul3A_443 : vector<16xf32>
    %mul3A_445 = arith.mulf %get3A_442, %get3A_442 : vector<16xf32>
    %add3A_446 = arith.addf %add3A_444, %mul3A_445 : vector<16xf32>
    %get3A_447 = arith.constant 1 : i32
    %get3A_448 = arith.index_cast %get3A_447 : i32 to index
    %get3A_449 = arith.constant 16 : index
    %get3A_450 = tpu.vector_load %arg15[%get3A_448, %get3A_449] {strides = array<i32>} : memref<4x128xf32, #tpu.memory_space<vmem>>, vector<1x16xf32>,
    %get3A_451 = vector.shape_cast %get3A_450 : vector<1x16xf32> to vector<16xf32>
    %get3A_452 = arith.constant 1 : i32
    %get3A_453 = arith.index_cast %get3A_452 : i32 to index
    %get3A_454 = arith.constant 16 : index
    %get3A_455 = tpu.vector_load %arg16[%get3A_453, %get3A_454] {strides = array<i32>} : memref<4x128xf32, #tpu.memory_space<vmem>>, vector<1x16xf32>,
    %get3A_456 = vector.shape_cast %get3A_455 : vector<1x16xf32> to vector<16xf32>
    %mul3A_457 = arith.mulf %get3A_451, %get3A_451 : vector<16xf32>
    %add3A_458 = arith.addf %add3A_446, %mul3A_457 : vector<16xf32>
    %mul3A_459 = arith.mulf %get3A_456, %get3A_456 : vector<16xf32>
    %add3A_460 = arith.addf %add3A_458, %mul3A_459 : vector<16xf32>
    %get3A_461 = arith.constant 1 : i32
    %get3A_462 = arith.index_cast %get3A_461 : i32 to index
    %get3A_463 = arith.constant 32 : index
    %get3A_464 = tpu.vector_load %arg15[%get3A_462, %get3A_463] {strides = array<i32>} : memref<4x128xf32, #tpu.memory_space<vmem>>, vector<1x16xf32>,
    %get3A_465 = vector.shape_cast %get3A_464 : vector<1x16xf32> to vector<16xf32>
    %get3A_466 = arith.constant 1 : i32
    %get3A_467 = arith.index_cast %get3A_466 : i32 to index
    %get3A_468 = arith.constant 32 : index
    %get3A_469 = tpu.vector_load %arg16[%get3A_467, %get3A_468] {strides = array<i32>} : memref<4x128xf32, #tpu.memory_space<vmem>>, vector<1x16xf32>,
    %get3A_470 = vector.shape_cast %get3A_469 : vector<1x16xf32> to vector<16xf32>
    %mul3A_471 = arith.mulf %get3A_465, %get3A_465 : vector<16xf32>
    %add3A_472 = arith.addf %add3A_460, %mul3A_471 : vector<16xf32>
    %mul3A_473 = arith.mulf %get3A_470, %get3A_470 : vector<16xf32>
    %add3A_474 = arith.addf %add3A_472, %mul3A_473 : vector<16xf32>
    %get3A_475 = arith.constant 1 : i32
    %get3A_476 = arith.index_cast %get3A_475 : i32 to index
    %get3A_477 = arith.constant 48 : index
    %get3A_478 = tpu.vector_load %arg15[%get3A_476, %get3A_477] {strides = array<i32>} : memref<4x128xf32, #tpu.memory_space<vmem>>, vector<1x16xf32>,
    %get3A_479 = vector.shape_cast %get3A_478 : vector<1x16xf32> to vector<16xf32>
    %get3A_480 = arith.constant 1 : i32
    %get3A_481 = arith.index_cast %get3A_480 : i32 to index
    %get3A_482 = arith.constant 48 : index
    %get3A_483 = tpu.vector_load %arg16[%get3A_481, %get3A_482] {strides = array<i32>} : memref<4x128xf32, #tpu.memory_space<vmem>>, vector<1x16xf32>,
    %get3A_484 = vector.shape_cast %get3A_483 : vector<1x16xf32> to vector<16xf32>
    %mul3A_485 = arith.mulf %get3A_479, %get3A_479 : vector<16xf32>
    %add3A_486 = arith.addf %add3A_474, %mul3A_485 : vector<16xf32>
    %mul3A_487 = arith.mulf %get3A_484, %get3A_484 : vector<16xf32>
    %add3A_488 = arith.addf %add3A_486, %mul3A_487 : vector<16xf32>
    %get3A_489 = arith.constant 1 : i32
    %get3A_490 = arith.index_cast %get3A_489 : i32 to index
    %get3A_491 = arith.constant 64 : index
    %get3A_492 = tpu.vector_load %arg15[%get3A_490, %get3A_491] {strides = array<i32>} : memref<4x128xf32, #tpu.memory_space<vmem>>, vector<1x16xf32>,
    %get3A_493 = vector.shape_cast %get3A_492 : vector<1x16xf32> to vector<16xf32>
    %get3A_494 = arith.constant 1 : i32
    %get3A_495 = arith.index_cast %get3A_494 : i32 to index
    %get3A_496 = arith.constant 64 : index
    %get3A_497 = tpu.vector_load %arg16[%get3A_495, %get3A_496] {strides = array<i32>} : memref<4x128xf32, #tpu.memory_space<vmem>>, vector<1x16xf32>,
    %get3A_498 = vector.shape_cast %get3A_497 : vector<1x16xf32> to vector<16xf32>
    %mul3A_499 = arith.mulf %get3A_493, %get3A_493 : vector<16xf32>
    %add3A_500 = arith.addf %add3A_488, %mul3A_499 : vector<16xf32>
    %mul3A_501 = arith.mulf %get3A_498, %get3A_498 : vector<16xf32>
    %add3A_502 = arith.addf %add3A_500, %mul3A_501 : vector<16xf32>
    %get3A_503 = arith.constant 1 : i32
    %get3A_504 = arith.index_cast %get3A_503 : i32 to index
    %get3A_505 = arith.constant 80 : index
    %get3A_506 = tpu.vector_load %arg15[%get3A_504, %get3A_505] {strides = array<i32>} : memref<4x128xf32, #tpu.memory_space<vmem>>, vector<1x16xf32>,
    %get3A_507 = vector.shape_cast %get3A_506 : vector<1x16xf32> to vector<16xf32>
    %get3A_508 = arith.constant 1 : i32
    %get3A_509 = arith.index_cast %get3A_508 : i32 to index
    %get3A_510 = arith.constant 80 : index
    %get3A_511 = tpu.vector_load %arg16[%get3A_509, %get3A_510] {strides = array<i32>} : memref<4x128xf32, #tpu.memory_space<vmem>>, vector<1x16xf32>,
    %get3A_512 = vector.shape_cast %get3A_511 : vector<1x16xf32> to vector<16xf32>
    %mul3A_513 = arith.mulf %get3A_507, %get3A_507 : vector<16xf32>
    %add3A_514 = arith.addf %add3A_502, %mul3A_513 : vector<16xf32>
    %mul3A_515 = arith.mulf %get3A_512, %get3A_512 : vector<16xf32>
    %add3A_516 = arith.addf %add3A_514, %mul3A_515 : vector<16xf32>
    %get3A_517 = arith.constant 1 : i32
    %get3A_518 = arith.index_cast %get3A_517 : i32 to index
    %get3A_519 = arith.constant 96 : index
    %get3A_520 = tpu.vector_load %arg15[%get3A_518, %get3A_519] {strides = array<i32>} : memref<4x128xf32, #tpu.memory_space<vmem>>, vector<1x16xf32>,
    %get3A_521 = vector.shape_cast %get3A_520 : vector<1x16xf32> to vector<16xf32>
    %get3A_522 = arith.constant 1 : i32
    %get3A_523 = arith.index_cast %get3A_522 : i32 to index
    %get3A_524 = arith.constant 96 : index
    %get3A_525 = tpu.vector_load %arg16[%get3A_523, %get3A_524] {strides = array<i32>} : memref<4x128xf32, #tpu.memory_space<vmem>>, vector<1x16xf32>,
    %get3A_526 = vector.shape_cast %get3A_525 : vector<1x16xf32> to vector<16xf32>
    %mul3A_527 = arith.mulf %get3A_521, %get3A_521 : vector<16xf32>
    %add3A_528 = arith.addf %add3A_516, %mul3A_527 : vector<16xf32>
    %mul3A_529 = arith.mulf %get3A_526, %get3A_526 : vector<16xf32>
    %add3A_530 = arith.addf %add3A_528, %mul3A_529 : vector<16xf32>
    %get3A_531 = arith.constant 1 : i32
    %get3A_532 = arith.index_cast %get3A_531 : i32 to index
    %get3A_533 = arith.constant 112 : index
    %get3A_534 = tpu.vector_load %arg15[%get3A_532, %get3A_533] {strides = array<i32>} : memref<4x128xf32, #tpu.memory_space<vmem>>, vector<1x16xf32>,
    %get3A_535 = vector.shape_cast %get3A_534 : vector<1x16xf32> to vector<16xf32>
    %get3A_536 = arith.constant 1 : i32
    %get3A_537 = arith.index_cast %get3A_536 : i32 to index
    %get3A_538 = arith.constant 112 : index
    %get3A_539 = tpu.vector_load %arg16[%get3A_537, %get3A_538] {strides = array<i32>} : memref<4x128xf32, #tpu.memory_space<vmem>>, vector<1x16xf32>,
    %get3A_540 = vector.shape_cast %get3A_539 : vector<1x16xf32> to vector<16xf32>
    %mul3A_541 = arith.mulf %get3A_535, %get3A_535 : vector<16xf32>
    %add3A_542 = arith.addf %add3A_530, %mul3A_541 : vector<16xf32>
    %mul3A_543 = arith.mulf %get3A_540, %get3A_540 : vector<16xf32>
    %add3A_544 = arith.addf %add3A_542, %mul3A_543 : vector<16xf32>
    %get3A_545 = arith.constant 2 : i32
    %get3A_546 = arith.index_cast %get3A_545 : i32 to index
    %get3A_547 = arith.constant 0 : index
    %get3A_548 = tpu.vector_load %arg15[%get3A_546, %get3A_547] {strides = array<i32>} : memref<4x128xf32, #tpu.memory_space<vmem>>, vector<1x16xf32>,
    %get3A_549 = vector.shape_cast %get3A_548 : vector<1x16xf32> to vector<16xf32>
    %get3A_550 = arith.constant 2 : i32
    %get3A_551 = arith.index_cast %get3A_550 : i32 to index
    %get3A_552 = arith.constant 0 : index
    %get3A_553 = tpu.vector_load %arg16[%get3A_551, %get3A_552] {strides = array<i32>} : memref<4x128xf32, #tpu.memory_space<vmem>>, vector<1x16xf32>,
    %get3A_554 = vector.shape_cast %get3A_553 : vector<1x16xf32> to vector<16xf32>
    %mul3A_555 = arith.mulf %get3A_549, %get3A_549 : vector<16xf32>
    %add3A_556 = arith.addf %add3A_544, %mul3A_555 : vector<16xf32>
    %mul3A_557 = arith.mulf %get3A_554, %get3A_554 : vector<16xf32>
    %add3A_558 = arith.addf %add3A_556, %mul3A_557 : vector<16xf32>
    %get3A_559 = arith.constant 2 : i32
    %get3A_560 = arith.index_cast %get3A_559 : i32 to index
    %get3A_561 = arith.constant 16 : index
    %get3A_562 = tpu.vector_load %arg15[%get3A_560, %get3A_561] {strides = array<i32>} : memref<4x128xf32, #tpu.memory_space<vmem>>, vector<1x16xf32>,
    %get3A_563 = vector.shape_cast %get3A_562 : vector<1x16xf32> to vector<16xf32>
    %get3A_564 = arith.constant 2 : i32
    %get3A_565 = arith.index_cast %get3A_564 : i32 to index
    %get3A_566 = arith.constant 16 : index
    %get3A_567 = tpu.vector_load %arg16[%get3A_565, %get3A_566] {strides = array<i32>} : memref<4x128xf32, #tpu.memory_space<vmem>>, vector<1x16xf32>,
    %get3A_568 = vector.shape_cast %get3A_567 : vector<1x16xf32> to vector<16xf32>
    %mul3A_569 = arith.mulf %get3A_563, %get3A_563 : vector<16xf32>
    %add3A_570 = arith.addf %add3A_558, %mul3A_569 : vector<16xf32>
    %mul3A_571 = arith.mulf %get3A_568, %get3A_568 : vector<16xf32>
    %add3A_572 = arith.addf %add3A_570, %mul3A_571 : vector<16xf32>
    %get3A_573 = arith.constant 2 : i32
    %get3A_574 = arith.index_cast %get3A_573 : i32 to index
    %get3A_575 = arith.constant 32 : index
    %get3A_576 = tpu.vector_load %arg15[%get3A_574, %get3A_575] {strides = array<i32>} : memref<4x128xf32, #tpu.memory_space<vmem>>, vector<1x16xf32>,
    %get3A_577 = vector.shape_cast %get3A_576 : vector<1x16xf32> to vector<16xf32>
    %get3A_578 = arith.constant 2 : i32
    %get3A_579 = arith.index_cast %get3A_578 : i32 to index
    %get3A_580 = arith.constant 32 : index
    %get3A_581 = tpu.vector_load %arg16[%get3A_579, %get3A_580] {strides = array<i32>} : memref<4x128xf32, #tpu.memory_space<vmem>>, vector<1x16xf32>,
    %get3A_582 = vector.shape_cast %get3A_581 : vector<1x16xf32> to vector<16xf32>
    %mul3A_583 = arith.mulf %get3A_577, %get3A_577 : vector<16xf32>
    %add3A_584 = arith.addf %add3A_572, %mul3A_583 : vector<16xf32>
    %mul3A_585 = arith.mulf %get3A_582, %get3A_582 : vector<16xf32>
    %add3A_586 = arith.addf %add3A_584, %mul3A_585 : vector<16xf32>
    %get3A_587 = arith.constant 2 : i32
    %get3A_588 = arith.index_cast %get3A_587 : i32 to index
    %get3A_589 = arith.constant 48 : index
    %get3A_590 = tpu.vector_load %arg15[%get3A_588, %get3A_589] {strides = array<i32>} : memref<4x128xf32, #tpu.memory_space<vmem>>, vector<1x16xf32>,
    %get3A_591 = vector.shape_cast %get3A_590 : vector<1x16xf32> to vector<16xf32>
    %get3A_592 = arith.constant 2 : i32
    %get3A_593 = arith.index_cast %get3A_592 : i32 to index
    %get3A_594 = arith.constant 48 : index
    %get3A_595 = tpu.vector_load %arg16[%get3A_593, %get3A_594] {strides = array<i32>} : memref<4x128xf32, #tpu.memory_space<vmem>>, vector<1x16xf32>,
    %get3A_596 = vector.shape_cast %get3A_595 : vector<1x16xf32> to vector<16xf32>
    %mul3A_597 = arith.mulf %get3A_591, %get3A_591 : vector<16xf32>
    %add3A_598 = arith.addf %add3A_586, %mul3A_597 : vector<16xf32>
    %mul3A_599 = arith.mulf %get3A_596, %get3A_596 : vector<16xf32>
    %add3A_600 = arith.addf %add3A_598, %mul3A_599 : vector<16xf32>
    %get3A_601 = arith.constant 2 : i32
    %get3A_602 = arith.index_cast %get3A_601 : i32 to index
    %get3A_603 = arith.constant 64 : index
    %get3A_604 = tpu.vector_load %arg15[%get3A_602, %get3A_603] {strides = array<i32>} : memref<4x128xf32, #tpu.memory_space<vmem>>, vector<1x16xf32>,
    %get3A_605 = vector.shape_cast %get3A_604 : vector<1x16xf32> to vector<16xf32>
    %get3A_606 = arith.constant 2 : i32
    %get3A_607 = arith.index_cast %get3A_606 : i32 to index
    %get3A_608 = arith.constant 64 : index
    %get3A_609 = tpu.vector_load %arg16[%get3A_607, %get3A_608] {strides = array<i32>} : memref<4x128xf32, #tpu.memory_space<vmem>>, vector<1x16xf32>,
    %get3A_610 = vector.shape_cast %get3A_609 : vector<1x16xf32> to vector<16xf32>
    %mul3A_611 = arith.mulf %get3A_605, %get3A_605 : vector<16xf32>
    %add3A_612 = arith.addf %add3A_600, %mul3A_611 : vector<16xf32>
    %mul3A_613 = arith.mulf %get3A_610, %get3A_610 : vector<16xf32>
    %add3A_614 = arith.addf %add3A_612, %mul3A_613 : vector<16xf32>
    %get3A_615 = arith.constant 2 : i32
    %get3A_616 = arith.index_cast %get3A_615 : i32 to index
    %get3A_617 = arith.constant 80 : index
    %get3A_618 = tpu.vector_load %arg15[%get3A_616, %get3A_617] {strides = array<i32>} : memref<4x128xf32, #tpu.memory_space<vmem>>, vector<1x16xf32>,
    %get3A_619 = vector.shape_cast %get3A_618 : vector<1x16xf32> to vector<16xf32>
    %get3A_620 = arith.constant 2 : i32
    %get3A_621 = arith.index_cast %get3A_620 : i32 to index
    %get3A_622 = arith.constant 80 : index
    %get3A_623 = tpu.vector_load %arg16[%get3A_621, %get3A_622] {strides = array<i32>} : memref<4x128xf32, #tpu.memory_space<vmem>>, vector<1x16xf32>,
    %get3A_624 = vector.shape_cast %get3A_623 : vector<1x16xf32> to vector<16xf32>
    %mul3A_625 = arith.mulf %get3A_619, %get3A_619 : vector<16xf32>
    %add3A_626 = arith.addf %add3A_614, %mul3A_625 : vector<16xf32>
    %mul3A_627 = arith.mulf %get3A_624, %get3A_624 : vector<16xf32>
    %add3A_628 = arith.addf %add3A_626, %mul3A_627 : vector<16xf32>
    %get3A_629 = arith.constant 2 : i32
    %get3A_630 = arith.index_cast %get3A_629 : i32 to index
    %get3A_631 = arith.constant 96 : index
    %get3A_632 = tpu.vector_load %arg15[%get3A_630, %get3A_631] {strides = array<i32>} : memref<4x128xf32, #tpu.memory_space<vmem>>, vector<1x16xf32>,
    %get3A_633 = vector.shape_cast %get3A_632 : vector<1x16xf32> to vector<16xf32>
    %get3A_634 = arith.constant 2 : i32
    %get3A_635 = arith.index_cast %get3A_634 : i32 to index
    %get3A_636 = arith.constant 96 : index
    %get3A_637 = tpu.vector_load %arg16[%get3A_635, %get3A_636] {strides = array<i32>} : memref<4x128xf32, #tpu.memory_space<vmem>>, vector<1x16xf32>,
    %get3A_638 = vector.shape_cast %get3A_637 : vector<1x16xf32> to vector<16xf32>
    %mul3A_639 = arith.mulf %get3A_633, %get3A_633 : vector<16xf32>
    %add3A_640 = arith.addf %add3A_628, %mul3A_639 : vector<16xf32>
    %mul3A_641 = arith.mulf %get3A_638, %get3A_638 : vector<16xf32>
    %add3A_642 = arith.addf %add3A_640, %mul3A_641 : vector<16xf32>
    %get3A_643 = arith.constant 2 : i32
    %get3A_644 = arith.index_cast %get3A_643 : i32 to index
    %get3A_645 = arith.constant 112 : index
    %get3A_646 = tpu.vector_load %arg15[%get3A_644, %get3A_645] {strides = array<i32>} : memref<4x128xf32, #tpu.memory_space<vmem>>, vector<1x16xf32>,
    %get3A_647 = vector.shape_cast %get3A_646 : vector<1x16xf32> to vector<16xf32>
    %get3A_648 = arith.constant 2 : i32
    %get3A_649 = arith.index_cast %get3A_648 : i32 to index
    %get3A_650 = arith.constant 112 : index
    %get3A_651 = tpu.vector_load %arg16[%get3A_649, %get3A_650] {strides = array<i32>} : memref<4x128xf32, #tpu.memory_space<vmem>>, vector<1x16xf32>,
    %get3A_652 = vector.shape_cast %get3A_651 : vector<1x16xf32> to vector<16xf32>
    %mul3A_653 = arith.mulf %get3A_647, %get3A_647 : vector<16xf32>
    %add3A_654 = arith.addf %add3A_642, %mul3A_653 : vector<16xf32>
    %mul3A_655 = arith.mulf %get3A_652, %get3A_652 : vector<16xf32>
    %add3A_656 = arith.addf %add3A_654, %mul3A_655 : vector<16xf32>
    %get3A_657 = arith.constant 3 : i32
    %get3A_658 = arith.index_cast %get3A_657 : i32 to index
    %get3A_659 = arith.constant 0 : index
    %get3A_660 = tpu.vector_load %arg15[%get3A_658, %get3A_659] {strides = array<i32>} : memref<4x128xf32, #tpu.memory_space<vmem>>, vector<1x16xf32>,
    %get3A_661 = vector.shape_cast %get3A_660 : vector<1x16xf32> to vector<16xf32>
    %get3A_662 = arith.constant 3 : i32
    %get3A_663 = arith.index_cast %get3A_662 : i32 to index
    %get3A_664 = arith.constant 0 : index
    %get3A_665 = tpu.vector_load %arg16[%get3A_663, %get3A_664] {strides = array<i32>} : memref<4x128xf32, #tpu.memory_space<vmem>>, vector<1x16xf32>,
    %get3A_666 = vector.shape_cast %get3A_665 : vector<1x16xf32> to vector<16xf32>
    %mul3A_667 = arith.mulf %get3A_661, %get3A_661 : vector<16xf32>
    %add3A_668 = arith.addf %add3A_656, %mul3A_667 : vector<16xf32>
    %mul3A_669 = arith.mulf %get3A_666, %get3A_666 : vector<16xf32>
    %add3A_670 = arith.addf %add3A_668, %mul3A_669 : vector<16xf32>
    %get3A_671 = arith.constant 3 : i32
    %get3A_672 = arith.index_cast %get3A_671 : i32 to index
    %get3A_673 = arith.constant 16 : index
    %get3A_674 = tpu.vector_load %arg15[%get3A_672, %get3A_673] {strides = array<i32>} : memref<4x128xf32, #tpu.memory_space<vmem>>, vector<1x16xf32>,
    %get3A_675 = vector.shape_cast %get3A_674 : vector<1x16xf32> to vector<16xf32>
    %get3A_676 = arith.constant 3 : i32
    %get3A_677 = arith.index_cast %get3A_676 : i32 to index
    %get3A_678 = arith.constant 16 : index
    %get3A_679 = tpu.vector_load %arg16[%get3A_677, %get3A_678] {strides = array<i32>} : memref<4x128xf32, #tpu.memory_space<vmem>>, vector<1x16xf32>,
    %get3A_680 = vector.shape_cast %get3A_679 : vector<1x16xf32> to vector<16xf32>
    %mul3A_681 = arith.mulf %get3A_675, %get3A_675 : vector<16xf32>
    %add3A_682 = arith.addf %add3A_670, %mul3A_681 : vector<16xf32>
    %mul3A_683 = arith.mulf %get3A_680, %get3A_680 : vector<16xf32>
    %add3A_684 = arith.addf %add3A_682, %mul3A_683 : vector<16xf32>
    %get3A_685 = arith.constant 3 : i32
    %get3A_686 = arith.index_cast %get3A_685 : i32 to index
    %get3A_687 = arith.constant 32 : index
    %get3A_688 = tpu.vector_load %arg15[%get3A_686, %get3A_687] {strides = array<i32>} : memref<4x128xf32, #tpu.memory_space<vmem>>, vector<1x16xf32>,
    %get3A_689 = vector.shape_cast %get3A_688 : vector<1x16xf32> to vector<16xf32>
    %get3A_690 = arith.constant 3 : i32
    %get3A_691 = arith.index_cast %get3A_690 : i32 to index
    %get3A_692 = arith.constant 32 : index
    %get3A_693 = tpu.vector_load %arg16[%get3A_691, %get3A_692] {strides = array<i32>} : memref<4x128xf32, #tpu.memory_space<vmem>>, vector<1x16xf32>,
    %get3A_694 = vector.shape_cast %get3A_693 : vector<1x16xf32> to vector<16xf32>
    %mul3A_695 = arith.mulf %get3A_689, %get3A_689 : vector<16xf32>
    %add3A_696 = arith.addf %add3A_684, %mul3A_695 : vector<16xf32>
    %mul3A_697 = arith.mulf %get3A_694, %get3A_694 : vector<16xf32>
    %add3A_698 = arith.addf %add3A_696, %mul3A_697 : vector<16xf32>
    %get3A_699 = arith.constant 3 : i32
    %get3A_700 = arith.index_cast %get3A_699 : i32 to index
    %get3A_701 = arith.constant 48 : index
    %get3A_702 = tpu.vector_load %arg15[%get3A_700, %get3A_701] {strides = array<i32>} : memref<4x128xf32, #tpu.memory_space<vmem>>, vector<1x16xf32>,
    %get3A_703 = vector.shape_cast %get3A_702 : vector<1x16xf32> to vector<16xf32>
    %get3A_704 = arith.constant 3 : i32
    %get3A_705 = arith.index_cast %get3A_704 : i32 to index
    %get3A_706 = arith.constant 48 : index
    %get3A_707 = tpu.vector_load %arg16[%get3A_705, %get3A_706] {strides = array<i32>} : memref<4x128xf32, #tpu.memory_space<vmem>>, vector<1x16xf32>,
    %get3A_708 = vector.shape_cast %get3A_707 : vector<1x16xf32> to vector<16xf32>
    %mul3A_709 = arith.mulf %get3A_703, %get3A_703 : vector<16xf32>
    %add3A_710 = arith.addf %add3A_698, %mul3A_709 : vector<16xf32>
    %mul3A_711 = arith.mulf %get3A_708, %get3A_708 : vector<16xf32>
    %add3A_712 = arith.addf %add3A_710, %mul3A_711 : vector<16xf32>
    %get3A_713 = arith.constant 3 : i32
    %get3A_714 = arith.index_cast %get3A_713 : i32 to index
    %get3A_715 = arith.constant 64 : index
    %get3A_716 = tpu.vector_load %arg15[%get3A_714, %get3A_715] {strides = array<i32>} : memref<4x128xf32, #tpu.memory_space<vmem>>, vector<1x16xf32>,
    %get3A_717 = vector.shape_cast %get3A_716 : vector<1x16xf32> to vector<16xf32>
    %get3A_718 = arith.constant 3 : i32
    %get3A_719 = arith.index_cast %get3A_718 : i32 to index
    %get3A_720 = arith.constant 64 : index
    %get3A_721 = tpu.vector_load %arg16[%get3A_719, %get3A_720] {strides = array<i32>} : memref<4x128xf32, #tpu.memory_space<vmem>>, vector<1x16xf32>,
    %get3A_722 = vector.shape_cast %get3A_721 : vector<1x16xf32> to vector<16xf32>
    %mul3A_723 = arith.mulf %get3A_717, %get3A_717 : vector<16xf32>
    %add3A_724 = arith.addf %add3A_712, %mul3A_723 : vector<16xf32>
    %mul3A_725 = arith.mulf %get3A_722, %get3A_722 : vector<16xf32>
    %add3A_726 = arith.addf %add3A_724, %mul3A_725 : vector<16xf32>
    %get3A_727 = arith.constant 3 : i32
    %get3A_728 = arith.index_cast %get3A_727 : i32 to index
    %get3A_729 = arith.constant 80 : index
    %get3A_730 = tpu.vector_load %arg15[%get3A_728, %get3A_729] {strides = array<i32>} : memref<4x128xf32, #tpu.memory_space<vmem>>, vector<1x16xf32>,
    %get3A_731 = vector.shape_cast %get3A_730 : vector<1x16xf32> to vector<16xf32>
    %get3A_732 = arith.constant 3 : i32
    %get3A_733 = arith.index_cast %get3A_732 : i32 to index
    %get3A_734 = arith.constant 80 : index
    %get3A_735 = tpu.vector_load %arg16[%get3A_733, %get3A_734] {strides = array<i32>} : memref<4x128xf32, #tpu.memory_space<vmem>>, vector<1x16xf32>,
    %get3A_736 = vector.shape_cast %get3A_735 : vector<1x16xf32> to vector<16xf32>
    %mul3A_737 = arith.mulf %get3A_731, %get3A_731 : vector<16xf32>
    %add3A_738 = arith.addf %add3A_726, %mul3A_737 : vector<16xf32>
    %mul3A_739 = arith.mulf %get3A_736, %get3A_736 : vector<16xf32>
    %add3A_740 = arith.addf %add3A_738, %mul3A_739 : vector<16xf32>
    %get3A_741 = arith.constant 3 : i32
    %get3A_742 = arith.index_cast %get3A_741 : i32 to index
    %get3A_743 = arith.constant 96 : index
    %get3A_744 = tpu.vector_load %arg15[%get3A_742, %get3A_743] {strides = array<i32>} : memref<4x128xf32, #tpu.memory_space<vmem>>, vector<1x16xf32>,
    %get3A_745 = vector.shape_cast %get3A_744 : vector<1x16xf32> to vector<16xf32>
    %get3A_746 = arith.constant 3 : i32
    %get3A_747 = arith.index_cast %get3A_746 : i32 to index
    %get3A_748 = arith.constant 96 : index
    %get3A_749 = tpu.vector_load %arg16[%get3A_747, %get3A_748] {strides = array<i32>} : memref<4x128xf32, #tpu.memory_space<vmem>>, vector<1x16xf32>,
    %get3A_750 = vector.shape_cast %get3A_749 : vector<1x16xf32> to vector<16xf32>
    %mul3A_751 = arith.mulf %get3A_745, %get3A_745 : vector<16xf32>
    %add3A_752 = arith.addf %add3A_740, %mul3A_751 : vector<16xf32>
    %mul3A_753 = arith.mulf %get3A_750, %get3A_750 : vector<16xf32>
    %add3A_754 = arith.addf %add3A_752, %mul3A_753 : vector<16xf32>
    %get3A_755 = arith.constant 3 : i32
    %get3A_756 = arith.index_cast %get3A_755 : i32 to index
    %get3A_757 = arith.constant 112 : index
    %get3A_758 = tpu.vector_load %arg15[%get3A_756, %get3A_757] {strides = array<i32>} : memref<4x128xf32, #tpu.memory_space<vmem>>, vector<1x16xf32>,
    %get3A_759 = vector.shape_cast %get3A_758 : vector<1x16xf32> to vector<16xf32>
    %get3A_760 = arith.constant 3 : i32
    %get3A_761 = arith.index_cast %get3A_760 : i32 to index
    %get3A_762 = arith.constant 112 : index
    %get3A_763 = tpu.vector_load %arg16[%get3A_761, %get3A_762] {strides = array<i32>} : memref<4x128xf32, #tpu.memory_space<vmem>>, vector<1x16xf32>,
    %get3A_764 = vector.shape_cast %get3A_763 : vector<1x16xf32> to vector<16xf32>
    %mul3A_765 = arith.mulf %get3A_759, %get3A_759 : vector<16xf32>
    %add3A_766 = arith.addf %add3A_754, %mul3A_765 : vector<16xf32>
    %mul3A_767 = arith.mulf %get3A_764, %get3A_764 : vector<16xf32>
    %add3A_768 = arith.addf %add3A_766, %mul3A_767 : vector<16xf32>
    %broadcast_in_dim3A_769 = arith.constant 0.000000e+00 : f32
    %broadcast_in_dim3A_770 = vector.broadcast %broadcast_in_dim3A_769 : f32 to vector<16xf32>
    %scan3A = arith.constant 0 : i32
    %scan3A_771 = arith.constant 512 : i32
    %scan3A_772 = arith.addi %scan3A, %scan3A_771 : i32
    %scan3A_773 = arith.constant 1 : i32
    %scan3A_774:2 = scf.for %scan3A_783 = %scan3A to %scan3A_772 step %scan3A_773 iter_args(%scan3A_784 = %broadcast_in_dim3A_770, %scan3A_785 = %add3A_768) -> (vector<16xf32>, vector<16xf32>)  : i32 {
      %get3A_786 = arith.index_cast %scan3A_783 : i32 to index
      %get3A_787 = arith.constant 0 : index
      %get3A_788 = tpu.vector_load %arg13[%get3A_786, %get3A_787] {strides = array<i32>} : memref<512x32xf32, #tpu.memory_space<vmem>>, vector<1x16xf32>,
      %get3A_789 = vector.shape_cast %get3A_788 : vector<1x16xf32> to vector<16xf32>
      %get3A_790 = arith.index_cast %scan3A_783 : i32 to index
      %get3A_791 = arith.constant 16 : index
      %get3A_792 = tpu.vector_load %arg13[%get3A_790, %get3A_791] {strides = array<i32>} : memref<512x32xf32, #tpu.memory_space<vmem>>, vector<1x16xf32>,
      %get3A_793 = vector.shape_cast %get3A_792 : vector<1x16xf32> to vector<16xf32>
      %get3A_794 = arith.index_cast %scan3A_783 : i32 to index
      %get3A_795 = arith.constant 0 : index
      %get3A_796 = tpu.vector_load %arg14[%get3A_794, %get3A_795] {strides = array<i32>} : memref<512x32xf32, #tpu.memory_space<vmem>>, vector<1x16xf32>,
      %get3A_797 = vector.shape_cast %get3A_796 : vector<1x16xf32> to vector<16xf32>
      %get3A_798 = arith.index_cast %scan3A_783 : i32 to index
      %get3A_799 = arith.constant 16 : index
      %get3A_800 = tpu.vector_load %arg14[%get3A_798, %get3A_799] {strides = array<i32>} : memref<512x32xf32, #tpu.memory_space<vmem>>, vector<1x16xf32>,
      %get3A_801 = vector.shape_cast %get3A_800 : vector<1x16xf32> to vector<16xf32>
      %mul3A_802 = arith.mulf %get3A_789, %get3A_797 : vector<16xf32>
      %add3A_803 = arith.addf %scan3A_784, %mul3A_802 : vector<16xf32>
      %mul3A_804 = arith.mulf %get3A_793, %get3A_801 : vector<16xf32>
      %add3A_805 = arith.addf %add3A_803, %mul3A_804 : vector<16xf32>
      %mul3A_806 = arith.mulf %get3A_789, %get3A_789 : vector<16xf32>
      %add3A_807 = arith.addf %scan3A_785, %mul3A_806 : vector<16xf32>
      %mul3A_808 = arith.mulf %get3A_793, %get3A_793 : vector<16xf32>
      %add3A_809 = arith.addf %add3A_807, %mul3A_808 : vector<16xf32>
      %mul3A_810 = arith.mulf %get3A_797, %get3A_797 : vector<16xf32>
      %add3A_811 = arith.addf %add3A_809, %mul3A_810 : vector<16xf32>
      %mul3A_812 = arith.mulf %get3A_801, %get3A_801 : vector<16xf32>
      %add3A_813 = arith.addf %add3A_811, %mul3A_812 : vector<16xf32>
      scf.yield %add3A_805, %add3A_813 : vector<16xf32>, vector<16xf32>
    }
    %scan3A_775 = arith.constant 512 : i32
    %swap3A = arith.constant 0 : index
    %swap3A_776 = tpu.vector_load %arg17[%swap3A] {strides = array<i32>} : memref<32xf32, #tpu.memory_space<vmem>>, vector<16xf32>,
    %swap3A_777 = vector.shape_cast %swap3A_776 : vector<16xf32> to vector<16xf32>
    %swap3A_778 = vector.shape_cast %scan3A_774#0 : vector<16xf32> to vector<16xf32>
    tpu.vector_store %arg17[%swap3A], %swap3A_778 {strides = array<i32>} : memref<32xf32, #tpu.memory_space<vmem>>, vector<16xf32>,
    %swap3A_779 = arith.constant 16 : index
    %swap3A_780 = tpu.vector_load %arg17[%swap3A_779] {strides = array<i32>} : memref<32xf32, #tpu.memory_space<vmem>>, vector<16xf32>,
    %swap3A_781 = vector.shape_cast %swap3A_780 : vector<16xf32> to vector<16xf32>
    %swap3A_782 = vector.shape_cast %scan3A_774#1 : vector<16xf32> to vector<16xf32>
    tpu.vector_store %arg17[%swap3A_779], %swap3A_782 {strides = array<i32>} : memref<32xf32, #tpu.memory_space<vmem>>, vector<16xf32>,
    "tpu.region"() ({
      %run_scoped3A = tpu.sem_alloc : memref<!tpu.dma_semaphore, #tpu.memory_space<semaphore_mem>>
      %dma_start3A_783 = arith.constant 0 : i32
      %dma_start3A_784 = tpu.memref_slice %arg8[%add3A, %dma_start3A_783] : memref<32x32xf32, #tpu.memory_space<hbm>> -> memref<1x32xf32, #tpu.memory_space<hbm>>
      %dma_start3A_785 = tpu.memref_squeeze %dma_start3A_784 : memref<1x32xf32, #tpu.memory_space<hbm>> -> memref<32xf32, #tpu.memory_space<hbm>>
      %dma_start3A_786 = arith.constant 0 : i32
      %dma_start3A_787 = tpu.memref_slice %arg8[%add3A, %dma_start3A_786] : memref<32x32xf32, #tpu.memory_space<hbm>> -> memref<1x32xf32, #tpu.memory_space<hbm>>
      %dma_start3A_788 = tpu.memref_squeeze %dma_start3A_787 : memref<1x32xf32, #tpu.memory_space<hbm>> -> memref<32xf32, #tpu.memory_space<hbm>>
      tpu.enqueue_dma source(%arg17 : memref<32xf32, #tpu.memory_space<vmem>>) target(%dma_start3A_788 : memref<32xf32, #tpu.memory_space<hbm>>) target_semaphore(%run_scoped3A : memref<!tpu.dma_semaphore, #tpu.memory_space<semaphore_mem>>)
      %dma_wait3A_789 = arith.constant 0 : i32
      %dma_wait3A_790 = tpu.memref_slice %arg8[%add3A, %dma_wait3A_789] : memref<32x32xf32, #tpu.memory_space<hbm>> -> memref<1x32xf32, #tpu.memory_space<hbm>>
      %dma_wait3A_791 = tpu.memref_squeeze %dma_wait3A_790 : memref<1x32xf32, #tpu.memory_space<hbm>> -> memref<32xf32, #tpu.memory_space<hbm>>
      %dma_wait3A_792 = arith.constant 0 : i32
      %dma_wait3A_793 = tpu.memref_slice %arg8[%add3A, %dma_wait3A_792] : memref<32x32xf32, #tpu.memory_space<hbm>> -> memref<1x32xf32, #tpu.memory_space<hbm>>
      %dma_wait3A_794 = tpu.memref_squeeze %dma_wait3A_793 : memref<1x32xf32, #tpu.memory_space<hbm>> -> memref<32xf32, #tpu.memory_space<hbm>>
      tpu.wait_dma2 semaphore(%run_scoped3A : memref<!tpu.dma_semaphore, #tpu.memory_space<semaphore_mem>>) src(%arg17 : memref<32xf32, #tpu.memory_space<vmem>>) dst(%dma_wait3A_794 : memref<32xf32, #tpu.memory_space<hbm>>)
      tpu.yield
    }) : () -> ()
    return
  }
}

module attributes {stable_mosaic.version = 14 : i64} {
  func.func @body(%arg0: memref<32x32xf32, #tpu.memory_space<vmem>>, %arg1: memref<128x128xf32, #tpu.memory_space<vmem>>, %arg2: memref<128x128xf32, #tpu.memory_space<vmem>>, %arg3: memref<1x1xf32, #tpu.memory_space<smem>>, %arg4: memref<128x128xf32, #tpu.memory_space<vmem>>, %arg5: memref<1x1xf32, #tpu.memory_space<smem>>) attributes {dimension_semantics = [], scalar_prefetch = 0 : i64, scratch_operands = 0 : i64, tpu.core_type = #tpu.core_type<tc>} {
    %get3A = arith.constant 0 : index
    %get3A_0 = arith.constant 0 : index
    %get3A_1 = vector.load %arg0[%get3A, %get3A_0] : memref<32x32xf32, #tpu.memory_space<vmem>>, vector<32x32xf32>
    %slice3A = vector.extract_strided_slice %get3A_1 {offsets = [0, 0], sizes = [32, 16], strides = [1, 1]} : vector<32x32xf32> to vector<32x16xf32>
    %reduce_sum3A = vector.shape_cast %slice3A : vector<32x16xf32> to vector<1x32x16xf32>
    %reduce_sum3A_2 = arith.constant dense<0.000000e+00> : vector<1xf32>
    %reduce_sum3A_3 = vector.multi_reduction <add>, %reduce_sum3A, %reduce_sum3A_2 [1, 2] : vector<1x32x16xf32> to vector<1xf32>
    %reduce_sum3A_4 = vector.shape_cast %reduce_sum3A_3 : vector<1xf32> to vector<1x1x1xf32>
    %reduce_sum3A_5 = vector.extract %reduce_sum3A_4[0, 0, 0] : f32 from vector<1x1x1xf32>
    %slice3A_6 = vector.extract_strided_slice %get3A_1 {offsets = [0, 16], sizes = [32, 16], strides = [1, 1]} : vector<32x32xf32> to vector<32x16xf32>
    %reduce_sum3A_7 = vector.shape_cast %slice3A_6 : vector<32x16xf32> to vector<1x32x16xf32>
    %reduce_sum3A_8 = arith.constant dense<0.000000e+00> : vector<1xf32>
    %reduce_sum3A_9 = vector.multi_reduction <add>, %reduce_sum3A_7, %reduce_sum3A_8 [1, 2] : vector<1x32x16xf32> to vector<1xf32>
    %reduce_sum3A_10 = vector.shape_cast %reduce_sum3A_9 : vector<1xf32> to vector<1x1x1xf32>
    %reduce_sum3A_11 = vector.extract %reduce_sum3A_10[0, 0, 0] : f32 from vector<1x1x1xf32>
    %get3A_12 = arith.constant 0 : index
    %get3A_13 = arith.constant 0 : index
    %get3A_14 = memref.load %arg3[%get3A_12, %get3A_13] : memref<1x1xf32, #tpu.memory_space<smem>>
    %add3A = arith.addf %reduce_sum3A_5, %get3A_14 : f32
    %get3A_15 = arith.constant 0 : index
    %get3A_16 = arith.constant 0 : index
    %get3A_17 = vector.load %arg1[%get3A_15, %get3A_16] : memref<128x128xf32, #tpu.memory_space<vmem>>, vector<128x128xf32>
    %add3A_18 = vector.broadcast %add3A : f32 to vector<128x128xf32>
    %add3A_19 = arith.addf %add3A_18, %get3A_17 : vector<128x128xf32>
    %get3A_20 = arith.constant 0 : index
    %get3A_21 = arith.constant 0 : index
    %get3A_22 = vector.load %arg2[%get3A_20, %get3A_21] : memref<128x128xf32, #tpu.memory_space<vmem>>, vector<128x128xf32>
    %add3A_23 = arith.addf %add3A_19, %get3A_22 : vector<128x128xf32>
    %logistic3A = arith.negf %add3A_23 : vector<128x128xf32>
    %logistic3A_24 = math.exp %logistic3A : vector<128x128xf32>
    %logistic3A_25 = arith.constant 1.000000e+00 : f32
    %logistic3A_26 = vector.broadcast %logistic3A_25 : f32 to vector<128x128xf32>
    %logistic3A_27 = arith.addf %logistic3A_26, %logistic3A_24 : vector<128x128xf32>
    %logistic3A_28 = arith.divf %logistic3A_26, %logistic3A_27 : vector<128x128xf32>
    %swap3A = arith.constant 0 : index
    %swap3A_29 = arith.constant 0 : index
    %swap3A_30 = vector.load %arg4[%swap3A, %swap3A_29] : memref<128x128xf32, #tpu.memory_space<vmem>>, vector<128x128xf32>
    tpu.vector_store %arg4[%swap3A, %swap3A_29], %logistic3A_28 {strides = array<i32>} : memref<128x128xf32, #tpu.memory_space<vmem>>, vector<128x128xf32>,
    %swap3A_31 = arith.constant 0 : index
    %swap3A_32 = arith.constant 0 : index
    %swap3A_33 = memref.load %arg5[%swap3A_31, %swap3A_32] : memref<1x1xf32, #tpu.memory_space<smem>>
    memref.store %reduce_sum3A_11, %arg5[%swap3A_31, %swap3A_32] : memref<1x1xf32, #tpu.memory_space<smem>>
    return
  }
}

</mosaic_0001>

<sc_bundles>
// kernel: kernel.4.cloned.1.call-start
scs
__scs_entry_jumppad:
0x0: {  	(pc) =	sbr.rel $0x88, $3  }
0x1: {  	(tag) =	ssettag $0x0;
	lr =	simm.s32 $0x1  }
0x2: {  	[smem:$0x3F9A] =	sst lr;
	_ =	strace $0xD0000000  }
0x3: {  	_ = 	snop  }
0x4: {  	_ = 	snop  }
0x5: {  	_ = 	snop  }
0x6: {  	_ = 	snop  }
0x7: {  	_ = 	snop  }
__scs_overlays_trampoline_lowered:
0x8: {  	[smem:$0x3FA9] =	sst s0  }
0x9: {  	[smem:$0x3FAA] =	sst s1  }
0xa: {  	[smem:$0x3FAB] =	sst s2  }
0xb: {  	[smem:$0x3FAC] =	sst s3  }
0xc: {  	[smem:$0x3FAD] =	sst s4  }
0xd: {  	[smem:$0x3FAE] =	sst s5  }
0xe: {  	[smem:$0x3FAF] =	sst s6  }
0xf: {  	[smem:$0x3FB0] =	sst s7  }
0x10: {  	[smem:$0x3FB1] =	sst s8  }
0x11: {  	[smem:$0x3FB2] =	sst s9;
	s0 =	simm.s32 @!p0 $0x0  }
0x12: {  	s1 =	sld [smem:$0x3F98];
	s0 =	simm.s32 @p0 $0x1  }
0x13: {  	[smem:$0x3FB3] =	sst s0;
	s0 =	simm.s32 @!p1 $0x0  }
0x14: {  	s2 =	sld [smem:$0x3F97];
	s0 =	simm.s32 @p1 $0x1  }
0x15: {  	[smem:$0x3FB4] =	sst s0;
	s0 =	simm.s32 @!p2 $0x0  }
0x16: {  	s3 =	sld [smem:$0x3FDB];
	s0 =	simm.s32 @p2 $0x1  }
0x17: {  	s4 =	simm.s32 $0x1BF5;
	[smem:$0x3FB6] =	sst s0  }
0x18: {  	s0 =	sld [smem:$0x3F99];
	_ =	swait.ge [sflag:s4], $0x0  }
0x19: {  	s7 =	sld [smem:$0x3F9A]  }
0x1a: {  	s8 =	sadd.s32 $0xFFFFE003, lr  }
0x1b: {  	s9 =	sadd.s32 $0xFFFFFEF7, lr;
	s5 =	simm.s32 $0xFFFFFFFF;
	p2 =	slt.u32 s8, $0xFFFFF086  }
0x1c: {  	p1 =	slt.u32 s9, $0xF7A;
	s5 =	simm.s32 @!p2 $0x0  }
0x1d: {  	s5 =	simm.s32 @p1 $0x1;
	p0 =	seq.s32 s7, s2  }
0x1e: {  	s7 =	smul.u32 @!p0 $0xF7A, s2;
	p2 =	seq.s32 @!p0 s5, $0x0  }
0x1f: {  	s9 =	smul.u32 $0xF7A, s1;
	s8 =	simm.s32 @!p0 $0x1BF5;
	p2 =	por !p2, p0  }
0x20: {  	[sflag:s8] =	ssyncset.s32 @!p0 $0xFFFFF086;
	s6 =	sadd.s32 @!p0 s3, s7;
	s7 =	simm.s32 @!p0 $0x108  }
0x21: {  	s3 =	sadd.s32 s3, s9;
	s6 =	sadd.s32 @!p0 $0x88, s6;
	s7 =	simm.s32 @p2 $0x1082  }
0x22: {  	[simem:s7], [sflag:s8] =	dma.local @!p0 [hbm:s6], $0xF7A  }
0x23: {  	s9 =	sor.u32 $0xD0000000, s2;
	s6 =	simm.s32 $0x108;
	_ =	swait.ge @!p0 [sflag:s8], $0x0  }
0x24: {  	s3 =	sadd.s32 $0x88, s3;
	s6 =	simm.s32 @!p1 $0x1082;
	[sflag:s4] =	ssyncset.s32 $0xFFFFF086  }
0x25: {  	[simem:s6], [sflag:s4] =	dma.local [hbm:s3], $0xF7A  }
0x26: {  	[smem:$0x3F9A] =	sst s1;
	(tag) =	ssettag s2;
	_ =	strace s9  }
0x27: {  	s1 =	sld [smem:$0x3FAA]  }
0x28: {  	s2 =	sld [smem:$0x3FAB]  }
0x29: {  	s4 =	sld [smem:$0x3FAD]  }
0x2a: {  	p0 =	seq.s32 s5, $0x0;
	s5 =	sld [smem:$0x3FAE]  }
0x2b: {  	s6 =	sld [smem:$0x3FAF]  }
0x2c: {  	s7 =	sld [smem:$0x3FB0]  }
0x2d: {  	s3 =	simm.s32 $0x108;
	s8 =	sld [smem:$0x3FB1]  }
0x2e: {  	s3 =	simm.s32 @!p0 $0x1082;
	s9 =	sld [smem:$0x3FB2]  }
0x2f: {  	lr =	sadd.s32 s0, s3;
	s0 =	sld [smem:$0x3FA9]  }
0x30: {  	s3 =	sld [smem:$0x3FAC]  }
0x31: {  	[smem:$0x3FB5] =	sst s10  }
0x32: {  	s10 =	sld [smem:$0x3FB3];
	_ =	sdelay $0x3  }
0x33: {  	p0 =	seq.s32 s10, $0x1;
	s10 =	sld [smem:$0x3FB5];
	_ =	sdelay $0x3  }
0x34: {  	[smem:$0x3FB5] =	sst s10  }
0x35: {  	s10 =	sld [smem:$0x3FB4];
	_ =	sdelay $0x3  }
0x36: {  	p1 =	seq.s32 s10, $0x1;
	s10 =	sld [smem:$0x3FB5];
	_ =	sdelay $0x3  }
0x37: {  	[smem:$0x3FB5] =	sst s10  }
0x38: {  	s10 =	sld [smem:$0x3FB6]  }
0x39: {  	_ = 	snop;
	(pc) =	sbr.ind lr, $3  }
0x3a: {  	_ = 	snop  }
0x3b: {  	_ = 	snop  }
0x3c: {  	p2 =	seq.s32 s10, $0x1;
	s10 =	sld [smem:$0x3FB5]  }
0x3d: {  	_ =	shalt  }
0x3e: {  	_ =	shalt  }
0x3f: {  	_ =	shalt  }
0x40: {  	_ =	shalt  }
0x41: {  	_ =	shalt  }
0x42: {  	_ =	shalt  }
0x43: {  	_ =	shalt  }
0x44: {  	_ =	shalt  }
0x45: {  	_ =	shalt  }
0x46: {  	_ =	shalt  }
0x47: {  	_ =	shalt  }
0x48: {  	_ =	shalt  }
0x49: {  	_ =	shalt  }
0x4a: {  	_ =	shalt  }
0x4b: {  	_ =	shalt  }
0x4c: {  	_ =	shalt  }
0x4d: {  	_ =	shalt  }
0x4e: {  	_ =	shalt  }
0x4f: {  	_ =	shalt  }
0x50: {  	_ =	shalt  }
0x51: {  	_ =	shalt  }
0x52: {  	_ =	shalt  }
0x53: {  	_ =	shalt  }
0x54: {  	_ =	shalt  }
0x55: {  	_ =	shalt  }
0x56: {  	_ =	shalt  }
0x57: {  	_ =	shalt  }
0x58: {  	_ =	shalt  }
0x59: {  	_ =	shalt  }
0x5a: {  	_ =	shalt  }
0x5b: {  	_ =	shalt  }
0x5c: {  	_ =	shalt  }
0x5d: {  	_ =	shalt  }
0x5e: {  	_ =	shalt  }
0x5f: {  	_ =	shalt  }
0x60: {  	_ =	shalt  }
0x61: {  	_ =	shalt  }
0x62: {  	_ =	shalt  }
0x63: {  	_ =	shalt  }
0x64: {  	_ =	shalt  }
0x65: {  	_ =	shalt  }
0x66: {  	_ =	shalt  }
0x67: {  	_ =	shalt  }
0x68: {  	_ =	shalt  }
0x69: {  	_ =	shalt  }
0x6a: {  	_ =	shalt  }
0x6b: {  	_ =	shalt  }
0x6c: {  	_ =	shalt  }
0x6d: {  	_ =	shalt  }
0x6e: {  	_ =	shalt  }
0x6f: {  	_ =	shalt  }
0x70: {  	_ =	shalt  }
0x71: {  	_ =	shalt  }
0x72: {  	_ =	shalt  }
0x73: {  	_ =	shalt  }
0x74: {  	_ =	shalt  }
0x75: {  	_ =	shalt  }
0x76: {  	_ =	shalt  }
0x77: {  	_ =	shalt  }
0x78: {  	_ =	shalt  }
0x79: {  	_ =	shalt  }
0x7a: {  	_ =	shalt  }
0x7b: {  	_ =	shalt  }
0x7c: {  	_ =	shalt  }
0x7d: {  	_ =	shalt  }
0x7e: {  	_ =	shalt  }
0x7f: {  	_ =	shalt  }
0x80: {  	_ =	shalt  }
0x81: {  	_ =	shalt  }
0x82: {  	_ =	shalt  }
0x83: {  	_ =	shalt  }
0x84: {  	_ =	shalt  }
0x85: {  	_ =	shalt  }
0x86: {  	_ =	shalt  }
0x87: {  	_ =	shalt  }
.Lfunc_end0:
.L_simem_size_0:
called_computation_lowered:
.L_overlay_start_0:
0x88: {  	s2 =	sld [smem:$0x3FD9]  }
0x89: {  	s3 =	sld [smem:$0x3FFE];
	_ =	sdelay $0x1  }
0x8a: {  	s1 =	srdreg.scid  }
0x8b: {  	s0 =	sand.u32 $0x1, s1  }
0x8c: {  	s14 =	sshll.u32 s0, $0xA;
	s2 =	sadd.s32 s3, s2  }
0x8d: {  	s2 =	sadd.s32 s2, s14  }
0x8e: {  	[smem:$0x3FC1] =	sst s2  }
0x8f: {  	_ = 	snop  }
0x90: {  	s2 =	sld [smem:$0x3FD0];
	_ =	sdelay $0x1  }
0x91: {  	s15 =	sld [smem:$0x3FC9]  }
0x92: {  	s5 =	simm.s32 $0xA;
	s6 =	simm.s32 $0x10;
	s4 =	sld [smem:$0x3FC8]  }
0x93: {  	[smem:s6], [sflag:s5] =	dma.local [hbm:s2], $0x1  }
0x94: {  	_ =	swait.eq [sflag:s5], $0x1  }
0x95: {  	[sflag:s5] =	ssyncset.done $0x0  }
0x96: {  	[sflag:s5] =	ssyncadd.s32 $0xFFFFFFFF  }
0x97: {  	s16 =	sld [smem:$0x10];
	(tm) =	ssettm $0x1  }
0x98: {  	s17 =	sld [smem:$0x3FFB];
	_ =	sdelay $0x3  }
0x99: {  	_ =	strace s17  }
0x9a: {  	s5 =	sld [smem:$0x3FFC];
	_ =	sdelay $0x3  }
0x9b: {  	_ =	strace s5  }
0x9c: {  	s5 =	sld [smem:$0x3FFD];
	_ =	sdelay $0x3  }
0x9d: {  	_ =	strace s5  }
0x9e: {  	_ =	strace $0x8FFFFFFF  }
0x9f: {  	s18 =	sld [smem:$0x3FDB];
	_ =	sdelay $0x1  }
0xa0: {  	s19 =	simm.s32 $_scs_section_size  }
0xa1: {  	s7 =	simm.s32 $_size__tile_overlayer_lowered;
	s8 =	simm.s32 $_tile_overlayer_lowered  }
0xa2: {  	s22 =	simm.s32 $0x1BFF;
	s21 =	sshll.u32 s8, $0x1;
	s5 =	sadd.s32 s19, s18  }
0xa3: {  	s9 =	simm.s32 $0x0;
	s20 =	sshll.u32 s7, $0x1;
	s7 =	sadd.s32 s21, s5  }
0xa4: {  	[timem:s9], [sflag:s22] =	dma.local [hbm:s7], s20  }
0xa5: {  	_ =	swait.ge [sflag:s22], s20  }
0xa6: {  	s6 =	ssub.s32 $0x0, s20;
	[sflag:s22] =	ssyncset.done $0x0  }
0xa7: {  	[sflag:s22] =	ssyncadd.s32 s6;
	_ =	sdelay $0x1  }
0xa8: {  	s23 =	simm.s32 $0x1B8B  }
0xa9: {  	_ =	swait.ge [sflag:s23], $0x1  }
0xaa: {  	[sflag:s23] =	ssyncset.done $0x0  }
0xab: {  	s25 =	simm.s32 $0x1B8E;
	s24 =	sld [smem:$0x3FFE];
	[sflag:s23] =	ssyncadd.s32 $0xFFFFFFFF  }
0xac: {  	s26 =	simm.s32 $execute0_lowered;
	[smem:$0x3FD2] =	sst s25  }
0xad: {  	s7 =	sshll.u32 s26, $0x1;
	_ =	strace $0x80000046;
	[dreg:$0x1] =	wrdreg $0xFFFFFFFF  }
0xae: {  	s28 =	simm.s32 $_size_execute0_lowered;
	s5 =	sadd.s32 s5, s7;
	[dreg:$0x0] =	wrdreg $0x0  }
0xaf: {  	s7 =	sshll.u32 s28, $0x1;
	[dreg:$0x2] =	wrdreg s5  }
0xb0: {  	[dreg:$0x3] =	wrdreg s7  }
0xb1: {  	[dreg:$0x4] =	wrdreg $0xC0  }
0xb2: {  	_ =	task [dreg:s9], $0x5FFFF  }
0xb3: {  	[dreg:$0x1] =	wrdreg $0xFFFFFFFF  }
0xb4: {  	[dreg:$0x0] =	wrdreg $0x60  }
0xb5: {  	[dreg:$0x2] =	wrdreg s15  }
0xb6: {  	[dreg:$0x3] =	wrdreg s4  }
0xb7: {  	[dreg:$0x4] =	wrdreg s24  }
0xb8: {  	[dreg:$0x5] =	wrdreg s16  }
0xb9: {  	[dreg:$0x6] =	wrdreg $0x9  }
0xba: {  	_ =	task.clear_ibuf [dreg:s9], $0x7FFFF;
	_ =	strace $0x90000046  }
0xbb: {  	s29 =	simm.s32 $0x9;
	_ =	strace $0x80000048  }
0xbc: {  	_ =	swait.ge [sflag:s29], $0x1  }
0xbd: {  	[sflag:s29] =	ssyncadd.s32 $0xFFFFFFFF  }
0xbe: {  	_ =	strace $0x90000048  }
0xbf: {  	_ =	sfence  }
0xc0: {  	s30 =	sld [smem:$0x0];
	_ =	sdelay $0x2  }
0xc1: {  	s31 =	sshll.u32 s1, $0xD;
	s1 =	sshrl.u32 s1, $0x2  }
0xc2: {  	s3 =	sand.u32 $0x4000, s31;
	s1 =	sadd.s32 s1, s30  }
0xc3: {  	s0 =	sor.u32 s3, s0;
	s1 =	sshll.u32 s1, $0x11  }
0xc4: {  	s0 =	sor.u32 s1, s0  }
0xc5: {  	s0 =	sadd.s32 $0x8F2B, s0  }
0xc6: {  	[sflag:s0] =	ssyncadd.remote.s32 $0x1  }
0xc7: {  	_ =	sfence.sel $0xFFFF  }
0xc8: {  	[dreg:$0x0] =	wrdreg $0xFFFFFFFF;
	(pc) =	sbr.abs _section_cstart, $3  }
0xc9: {  	[dreg:$0x1] =	wrdreg $0xFFFFFFFF  }
0xca: {  	_ =	task.clear_ibuf [dreg:s9], $0x2FFFF;
	_ =	strace $0x9FFFFFFF  }
0xcb: {  	(tm) =	ssettm $0x7FFFFFFF  }
tec
execute0_lowered:
.L_overlay_start_1:
0x0: {  	(tag) =	ssettag $0x1  }
0x1: {  	s0 =	rddreg [dreg:$0x0]  }
0x2: {  	s1 =	rddreg [dreg:$0x1]  }
0x3: {  	s7 =	rddreg [dreg:$0x2]  }
0x4: {  	s9 =	rddreg [dreg:$0x3];
	s2 =	simm.s32 $0x0  }
0x5: {  	s4 =	srdreg.scid;
	s5 =	stileid.u32;
	s14 =	simm.s32 $0x200  }
0x6: {  	s15 =	simm.s32 $0x80;
	s18 =	simm.s32 $0x8400;
	s19 =	simm.s32 $0x8600  }
0x7: {  	s21 =	simm.s32 $0x280;
	s25 =	simm.s32 $0x100;
	s28 =	simm.s32 $0x300  }
0x8: {  	s16 =	simm.s32 $0x380;
	s17 =	simm.s32 $0x7400;
	s20 =	simm.s32 $0x8580  }
0x9: {  	s22 =	simm.s32 $0x8780;
	s23 =	simm.s32 $0x1;
	s24 =	simm.s32 $0x2  }
0xa: {  	s26 =	simm.s32 $0x8800;
	s29 =	simm.s32 $0x0;
	[smem:$0x7FF] =	sst s2  }
0xb: {  	s3 =	sadd.s32 $0x1313600, s7;
	s8 =	sand.u32 $0x1, s4;
	s4 =	sadd.s32 $0xF42C00, s7  }
0xc: {  	s6 =	sshll.u32 s5, $0x1;
	s5 =	sadd.s32 $0x1F200, s7;
	_ =	strace $0x80000047  }
0xd: {  	s10 =	sor.u32 s8, s6;
	s6 =	sadd.s32 $0x800, s7;
	s8 =	ssub.s32 $0x2, s8  }
0xe: {  	s11 =	sshll.u32 s10, $0x2;
	s10 =	sshll.u32 s10, $0x6;
	s12 =	sshrl.u32 s8, $0x1  }
0xf: {  	s11 =	sadd.s32 s11, s7;
	s13 =	sadd.s32 s10, s7;
	s12 =	ssub.s32 s8, s12  }
0x10: {  	s7 =	sadd.s32 s0, s10;
	s8 =	sadd.s32 s1, s10;
	s9 =	sadd.s32 s9, s10  }
0x11: {  	s0 =	simm.s32 $0x180;
	s1 =	simm.s32 $0x3400;
	s10 =	sadd.s32 $0x3DE00, s13  }
0x12: {  	s11 =	sadd.s32 $0x3DC00, s11;
	s12 =	smax.u32 s12, $0x1;
	s13 =	simm.s32 $0x3  }
.LBB2_1:
0x13: {  	[tilespmem:s2], [sflag:$0x3] =	stream.linear.gather [hbm4b:s7+s2], $0x200, $0x38;
	[tilespmem:$0x8820] =	vst v63  }
0x14: {  	_ =	swait.ge [sflag:s13], $0x200  }
0x15: {  	[sflag:s13] =	ssyncset.done $0x0  }
0x16: {  	[sflag:s13] =	ssyncadd.s32 $0xFFFFFE00  }
0x17: {  	[tilespmem:s14], [sflag:$0x3] =	stream.linear.gather [hbm4b:s8+s2], $0x200, $0x38;
	[tilespmem:$0x8820] =	vst v63  }
0x18: {  	_ =	swait.ge [sflag:s13], $0x200  }
0x19: {  	[sflag:s13] =	ssyncset.done $0x0  }
0x1a: {  	s30 =	simm.s32 $0x400;
	[sflag:s13] =	ssyncadd.s32 $0xFFFFFE00  }
0x1b: {  	[tilespmem:s30], [sflag:$0x1] =	stream.indirect.gather [hbm4b:s3+s15], $0x20, s2, s15, $0xb8;
	[tilespmem:$0x8820] =	vst v63  }
0x1c: {  	s30 =	simm.s32 $0x4400  }
0x1d: {  	[tilespmem:s30], [sflag:$0x1] =	stream.indirect.gather [hbm4b:s4+s15], $0x20, s14, s15, $0xb8;
	[tilespmem:$0x8820] =	vst v63  }
0x1e: {  	_ = 	snop  }
0x1f: {  	[tilespmem:s18], [sflag:$0x2] =	stream.indirect.gather [hbm4b:s5+s15], $0x1, s2, s15, $0xb8;
	[tilespmem:$0x8820] =	vst v63  }
0x20: {  	_ = 	snop  }
0x21: {  	[tilespmem:s19], [sflag:$0x2] =	stream.indirect.gather [hbm4b:s6+s15], $0x1, s14, s15, $0xb8;
	[tilespmem:$0x8820] =	vst v63  }
0x22: {  	s30 =	simm.s32 $0x1400  }
0x23: {  	[tilespmem:s30], [sflag:$0x1] =	stream.indirect.gather [hbm4b:s3+s15], $0x20, s15, s15, $0xb8;
	[tilespmem:$0x8820] =	vst v63  }
0x24: {  	s30 =	simm.s32 $0x5400  }
0x25: {  	[tilespmem:s30], [sflag:$0x1] =	stream.indirect.gather [hbm4b:s4+s15], $0x20, s21, s15, $0xb8;
	[tilespmem:$0x8820] =	vst v63  }
0x26: {  	s30 =	simm.s32 $0x8480  }
0x27: {  	[tilespmem:s30], [sflag:$0x2] =	stream.indirect.gather [hbm4b:s5+s15], $0x1, s15, s15, $0xb8;
	[tilespmem:$0x8820] =	vst v63  }
0x28: {  	s30 =	simm.s32 $0x8680  }
0x29: {  	[tilespmem:s30], [sflag:$0x2] =	stream.indirect.gather [hbm4b:s6+s15], $0x1, s21, s15, $0xb8;
	[tilespmem:$0x8820] =	vst v63  }
0x2a: {  	s30 =	simm.s32 $0x2400  }
0x2b: {  	[tilespmem:s30], [sflag:$0x1] =	stream.indirect.gather [hbm4b:s3+s15], $0x20, s25, s15, $0xb8;
	[tilespmem:$0x8820] =	vst v63  }
0x2c: {  	s30 =	simm.s32 $0x6400  }
0x2d: {  	[tilespmem:s30], [sflag:$0x1] =	stream.indirect.gather [hbm4b:s4+s15], $0x20, s28, s15, $0xb8;
	[tilespmem:$0x8820] =	vst v63  }
0x2e: {  	s30 =	simm.s32 $0x8500  }
0x2f: {  	[tilespmem:s30], [sflag:$0x2] =	stream.indirect.gather [hbm4b:s5+s15], $0x1, s25, s15, $0xb8;
	[tilespmem:$0x8820] =	vst v63  }
0x30: {  	s30 =	simm.s32 $0x8700  }
0x31: {  	[tilespmem:s30], [sflag:$0x2] =	stream.indirect.gather [hbm4b:s6+s15], $0x1, s28, s15, $0xb8;
	[tilespmem:$0x8820] =	vst v63  }
0x32: {  	_ = 	snop  }
0x33: {  	[tilespmem:s1], [sflag:$0x1] =	stream.indirect.gather [hbm4b:s3+s15], $0x20, s0, s15, $0xb8;
	[tilespmem:$0x8820] =	vst v63  }
0x34: {  	_ = 	snop  }
0x35: {  	[tilespmem:s17], [sflag:$0x1] =	stream.indirect.gather [hbm4b:s4+s15], $0x20, s16, s15, $0xb8;
	[tilespmem:$0x8820] =	vst v63  }
0x36: {  	_ = 	snop  }
0x37: {  	[tilespmem:s20], [sflag:$0x2] =	stream.indirect.gather [hbm4b:s5+s15], $0x1, s0, s15, $0xb8;
	[tilespmem:$0x8820] =	vst v63  }
0x38: {  	_ = 	snop  }
0x39: {  	[tilespmem:s22], [sflag:$0x2] =	stream.indirect.gather [hbm4b:s6+s15], $0x1, s16, s15, $0xb8;
	[tilespmem:$0x8820] =	vst v63  }
0x3a: {  	_ =	swait.ge [sflag:s23], $0x1000  }
0x3b: {  	[sflag:s23] =	ssyncset.done $0x0  }
0x3c: {  	[sflag:s23] =	ssyncadd.s32 $0xFFFFF000  }
0x3d: {  	_ =	swait.ge [sflag:s23], $0x1000  }
0x3e: {  	[sflag:s23] =	ssyncset.done $0x0  }
0x3f: {  	[sflag:s23] =	ssyncadd.s32 $0xFFFFF000  }
0x40: {  	_ =	swait.ge [sflag:s24], $0x80  }
0x41: {  	[sflag:s24] =	ssyncset.done $0x0  }
0x42: {  	[sflag:s24] =	ssyncadd.s32 $0xFFFFFF80  }
0x43: {  	_ =	swait.ge [sflag:s24], $0x80  }
0x44: {  	[sflag:s24] =	ssyncset.done $0x0  }
0x45: {  	[sflag:s24] =	ssyncadd.s32 $0xFFFFFF80  }
0x46: {  	_ =	swait.ge [sflag:s23], $0x1000  }
0x47: {  	[sflag:s23] =	ssyncset.done $0x0  }
0x48: {  	[sflag:s23] =	ssyncadd.s32 $0xFFFFF000  }
0x49: {  	_ =	swait.ge [sflag:s23], $0x1000  }
0x4a: {  	[sflag:s23] =	ssyncset.done $0x0  }
0x4b: {  	[sflag:s23] =	ssyncadd.s32 $0xFFFFF000  }
0x4c: {  	_ =	swait.ge [sflag:s24], $0x80  }
0x4d: {  	[sflag:s24] =	ssyncset.done $0x0  }
0x4e: {  	[sflag:s24] =	ssyncadd.s32 $0xFFFFFF80  }
0x4f: {  	_ =	swait.ge [sflag:s24], $0x80  }
0x50: {  	[sflag:s24] =	ssyncset.done $0x0  }
0x51: {  	[sflag:s24] =	ssyncadd.s32 $0xFFFFFF80  }
0x52: {  	_ =	swait.ge [sflag:s23], $0x1000  }
0x53: {  	[sflag:s23] =	ssyncset.done $0x0  }
0x54: {  	[sflag:s23] =	ssyncadd.s32 $0xFFFFF000  }
0x55: {  	_ =	swait.ge [sflag:s23], $0x1000  }
0x56: {  	[sflag:s23] =	ssyncset.done $0x0  }
0x57: {  	[sflag:s23] =	ssyncadd.s32 $0xFFFFF000  }
0x58: {  	_ =	swait.ge [sflag:s24], $0x80  }
0x59: {  	[sflag:s24] =	ssyncset.done $0x0  }
0x5a: {  	[sflag:s24] =	ssyncadd.s32 $0xFFFFFF80  }
0x5b: {  	_ =	swait.ge [sflag:s24], $0x80  }
0x5c: {  	[sflag:s24] =	ssyncset.done $0x0  }
0x5d: {  	[sflag:s24] =	ssyncadd.s32 $0xFFFFFF80  }
0x5e: {  	_ =	swait.ge [sflag:s23], $0x1000  }
0x5f: {  	[sflag:s23] =	ssyncset.done $0x0  }
0x60: {  	[sflag:s23] =	ssyncadd.s32 $0xFFFFF000  }
0x61: {  	_ =	swait.ge [sflag:s23], $0x1000  }
0x62: {  	[sflag:s23] =	ssyncset.done $0x0  }
0x63: {  	[sflag:s23] =	ssyncadd.s32 $0xFFFFF000  }
0x64: {  	_ =	swait.ge [sflag:s24], $0x80  }
0x65: {  	[sflag:s24] =	ssyncset.done $0x0  }
0x66: {  	[sflag:s24] =	ssyncadd.s32 $0xFFFFFF80  }
0x67: {  	_ =	swait.ge [sflag:s24], $0x80  }
0x68: {  	[sflag:s24] =	ssyncset.done $0x0  }
0x69: {  	[sflag:s24] =	ssyncadd.s32 $0xFFFFFF80  }
0x6a: {  	[hbm4b:s9+s2] =	stream.linear.scatter [tilespmem:s18], [sflag:$0x3], $0x200, $0x38;
	[tilespmem:$0x8820] =	vst v63  }
0x6b: {  	_ =	swait.ge [sflag:s13], $0x200  }
0x6c: {  	[sflag:s13] =	ssyncset.done $0x0  }
0x6d: {  	[sflag:s13] =	ssyncadd.s32 $0xFFFFFE00  }
0x6e: {  	[hbm4b:s10+s2] =	stream.linear.scatter [tilespmem:s19], [sflag:$0x3], $0x200, $0x38;
	[tilespmem:$0x8820] =	vst v63  }
0x6f: {  	_ =	swait.ge [sflag:s13], $0x200  }
0x70: {  	[sflag:s13] =	ssyncset.done $0x0  }
0x71: {  	[sflag:s13] =	ssyncadd.s32 $0xFFFFFE00  }
0x72: {  	v0 =	vld [tilespmem:$0x8400]  }
0x73: {  	v1 =	vld [tilespmem:$0x8600];
	_ =	sdelay $0x1  }
0x74: {  	v2 =	vld [tilespmem:$0x8410];
	_ =	sdelay $0x1  }
0x75: {  	v3 =	vld [tilespmem:$0x8610]  }
0x76: {  	v0 =	vmul.f32 v0, v0;
	v1 =	vmul.f32 v1, v1  }
0x77: {  	v4 =	vld [tilespmem:$0x8420]  }
0x78: {  	v0 =	vadd.f32 v1, v0;
	v1 =	vmul.f32 v2, v2  }
0x79: {  	v2 =	vld [tilespmem:$0x8620]  }
0x7a: {  	v0 =	vadd.f32 v1, v0;
	v1 =	vmul.f32 v3, v3  }
0x7b: {  	v3 =	vld [tilespmem:$0x8430]  }
0x7c: {  	v0 =	vadd.f32 v1, v0;
	v1 =	vmul.f32 v4, v4  }
0x7d: {  	v4 =	vld [tilespmem:$0x8630]  }
0x7e: {  	v0 =	vadd.f32 v1, v0;
	v1 =	vmul.f32 v2, v2  }
0x7f: {  	v2 =	vld [tilespmem:$0x8440]  }
0x80: {  	v0 =	vadd.f32 v1, v0;
	v1 =	vmul.f32 v3, v3  }
0x81: {  	v3 =	vld [tilespmem:$0x8640]  }
0x82: {  	v0 =	vadd.f32 v1, v0;
	v1 =	vmul.f32 v4, v4  }
0x83: {  	v4 =	vld [tilespmem:$0x8450]  }
0x84: {  	v0 =	vadd.f32 v1, v0;
	v1 =	vmul.f32 v2, v2  }
0x85: {  	v2 =	vld [tilespmem:$0x8650]  }
0x86: {  	v0 =	vadd.f32 v1, v0;
	v1 =	vmul.f32 v3, v3  }
0x87: {  	v3 =	vld [tilespmem:$0x8460]  }
0x88: {  	v0 =	vadd.f32 v1, v0;
	v1 =	vmul.f32 v4, v4  }
0x89: {  	v4 =	vld [tilespmem:$0x8660]  }
0x8a: {  	v0 =	vadd.f32 v1, v0;
	v1 =	vmul.f32 v2, v2  }
0x8b: {  	v2 =	vld [tilespmem:$0x8470]  }
0x8c: {  	v0 =	vadd.f32 v1, v0;
	v1 =	vmul.f32 v3, v3  }
0x8d: {  	v3 =	vld [tilespmem:$0x8670]  }
0x8e: {  	v0 =	vadd.f32 v1, v0;
	v1 =	vmul.f32 v4, v4  }
0x8f: {  	v4 =	vld [tilespmem:$0x8480]  }
0x90: {  	v0 =	vadd.f32 v1, v0;
	v1 =	vmul.f32 v2, v2  }
0x91: {  	v2 =	vld [tilespmem:$0x8680]  }
0x92: {  	v0 =	vadd.f32 v1, v0;
	v1 =	vmul.f32 v3, v3  }
0x93: {  	v3 =	vld [tilespmem:$0x8490]  }
0x94: {  	v0 =	vadd.f32 v1, v0;
	v1 =	vmul.f32 v4, v4  }
0x95: {  	v4 =	vld [tilespmem:$0x8690]  }
0x96: {  	v0 =	vadd.f32 v1, v0;
	v1 =	vmul.f32 v2, v2  }
0x97: {  	v2 =	vld [tilespmem:$0x84A0]  }
0x98: {  	v0 =	vadd.f32 v1, v0;
	v1 =	vmul.f32 v3, v3  }
0x99: {  	v3 =	vld [tilespmem:$0x86A0]  }
0x9a: {  	v0 =	vadd.f32 v1, v0;
	v1 =	vmul.f32 v4, v4  }
0x9b: {  	v4 =	vld [tilespmem:$0x84B0]  }
0x9c: {  	v0 =	vadd.f32 v1, v0;
	v1 =	vmul.f32 v2, v2  }
0x9d: {  	v2 =	vld [tilespmem:$0x86B0]  }
0x9e: {  	v0 =	vadd.f32 v1, v0;
	v1 =	vmul.f32 v3, v3  }
0x9f: {  	v3 =	vld [tilespmem:$0x84C0]  }
0xa0: {  	v0 =	vadd.f32 v1, v0;
	v1 =	vmul.f32 v4, v4  }
0xa1: {  	v4 =	vld [tilespmem:$0x86C0]  }
0xa2: {  	v0 =	vadd.f32 v1, v0;
	v1 =	vmul.f32 v2, v2  }
0xa3: {  	v2 =	vld [tilespmem:$0x84D0]  }
0xa4: {  	v0 =	vadd.f32 v1, v0;
	v1 =	vmul.f32 v3, v3  }
0xa5: {  	v3 =	vld [tilespmem:$0x86D0]  }
0xa6: {  	v0 =	vadd.f32 v1, v0;
	v1 =	vmul.f32 v4, v4  }
0xa7: {  	v4 =	vld [tilespmem:$0x84E0]  }
0xa8: {  	v0 =	vadd.f32 v1, v0;
	v1 =	vmul.f32 v2, v2  }
0xa9: {  	v2 =	vld [tilespmem:$0x86E0]  }
0xaa: {  	v0 =	vadd.f32 v1, v0;
	v1 =	vmul.f32 v3, v3  }
0xab: {  	v3 =	vld [tilespmem:$0x84F0]  }
0xac: {  	v0 =	vadd.f32 v1, v0;
	v1 =	vmul.f32 v4, v4  }
0xad: {  	v4 =	vld [tilespmem:$0x86F0]  }
0xae: {  	v0 =	vadd.f32 v1, v0;
	v1 =	vmul.f32 v2, v2  }
0xaf: {  	v2 =	vld [tilespmem:$0x8500]  }
0xb0: {  	v0 =	vadd.f32 v1, v0;
	v1 =	vmul.f32 v3, v3  }
0xb1: {  	v3 =	vld [tilespmem:$0x8700]  }
0xb2: {  	v0 =	vadd.f32 v1, v0;
	v1 =	vmul.f32 v4, v4  }
0xb3: {  	v4 =	vld [tilespmem:$0x8510]  }
0xb4: {  	v0 =	vadd.f32 v1, v0;
	v1 =	vmul.f32 v2, v2  }
0xb5: {  	v2 =	vld [tilespmem:$0x8710]  }
0xb6: {  	v0 =	vadd.f32 v1, v0;
	v1 =	vmul.f32 v3, v3  }
0xb7: {  	v3 =	vld [tilespmem:$0x8520]  }
0xb8: {  	v0 =	vadd.f32 v1, v0;
	v1 =	vmul.f32 v4, v4  }
0xb9: {  	v4 =	vld [tilespmem:$0x8720]  }
0xba: {  	v0 =	vadd.f32 v1, v0;
	v1 =	vmul.f32 v2, v2  }
0xbb: {  	v2 =	vld [tilespmem:$0x8530]  }
0xbc: {  	v0 =	vadd.f32 v1, v0;
	v1 =	vmul.f32 v3, v3  }
0xbd: {  	v3 =	vld [tilespmem:$0x8730]  }
0xbe: {  	v0 =	vadd.f32 v1, v0;
	v1 =	vmul.f32 v4, v4  }
0xbf: {  	v4 =	vld [tilespmem:$0x8540]  }
0xc0: {  	v0 =	vadd.f32 v1, v0;
	v1 =	vmul.f32 v2, v2  }
0xc1: {  	v2 =	vld [tilespmem:$0x8740]  }
0xc2: {  	v0 =	vadd.f32 v1, v0;
	v1 =	vmul.f32 v3, v3  }
0xc3: {  	v3 =	vld [tilespmem:$0x8550]  }
0xc4: {  	v0 =	vadd.f32 v1, v0;
	v1 =	vmul.f32 v4, v4  }
0xc5: {  	v4 =	vld [tilespmem:$0x8750]  }
0xc6: {  	v0 =	vadd.f32 v1, v0;
	v1 =	vmul.f32 v2, v2  }
0xc7: {  	v2 =	vld [tilespmem:$0x8560]  }
0xc8: {  	v0 =	vadd.f32 v1, v0;
	v1 =	vmul.f32 v3, v3  }
0xc9: {  	v3 =	vld [tilespmem:$0x8760]  }
0xca: {  	v0 =	vadd.f32 v1, v0;
	v1 =	vmul.f32 v4, v4  }
0xcb: {  	v4 =	vld [tilespmem:$0x8570]  }
0xcc: {  	v0 =	vadd.f32 v1, v0;
	v1 =	vmul.f32 v2, v2  }
0xcd: {  	v2 =	vld [tilespmem:$0x8770]  }
0xce: {  	v0 =	vadd.f32 v1, v0;
	v1 =	vmul.f32 v3, v3  }
0xcf: {  	v3 =	vld [tilespmem:$0x8580]  }
0xd0: {  	v0 =	vadd.f32 v1, v0;
	v1 =	vmul.f32 v4, v4  }
0xd1: {  	v4 =	vld [tilespmem:$0x8780]  }
0xd2: {  	v0 =	vadd.f32 v1, v0;
	v1 =	vmul.f32 v2, v2  }
0xd3: {  	v2 =	vld [tilespmem:$0x8590]  }
0xd4: {  	v0 =	vadd.f32 v1, v0;
	v1 =	vmul.f32 v3, v3  }
0xd5: {  	v3 =	vld [tilespmem:$0x8790]  }
0xd6: {  	v0 =	vadd.f32 v1, v0;
	v1 =	vmul.f32 v4, v4  }
0xd7: {  	v4 =	vld [tilespmem:$0x85A0]  }
0xd8: {  	v0 =	vadd.f32 v1, v0;
	v1 =	vmul.f32 v2, v2  }
0xd9: {  	v2 =	vld [tilespmem:$0x87A0]  }
0xda: {  	v0 =	vadd.f32 v1, v0;
	v1 =	vmul.f32 v3, v3  }
0xdb: {  	v3 =	vld [tilespmem:$0x85B0]  }
0xdc: {  	v0 =	vadd.f32 v1, v0;
	v1 =	vmul.f32 v4, v4  }
0xdd: {  	v4 =	vld [tilespmem:$0x87B0]  }
0xde: {  	v0 =	vadd.f32 v1, v0;
	v1 =	vmul.f32 v2, v2  }
0xdf: {  	v2 =	vld [tilespmem:$0x85C0]  }
0xe0: {  	v0 =	vadd.f32 v1, v0;
	v1 =	vmul.f32 v3, v3  }
0xe1: {  	v3 =	vld [tilespmem:$0x87C0]  }
0xe2: {  	v0 =	vadd.f32 v1, v0;
	v1 =	vmul.f32 v4, v4  }
0xe3: {  	v4 =	vld [tilespmem:$0x85D0]  }
0xe4: {  	v0 =	vadd.f32 v1, v0;
	v1 =	vmul.f32 v2, v2  }
0xe5: {  	v2 =	vld [tilespmem:$0x87D0]  }
0xe6: {  	v0 =	vadd.f32 v1, v0;
	v1 =	vmul.f32 v3, v3  }
0xe7: {  	v3 =	vld [tilespmem:$0x85E0]  }
0xe8: {  	v0 =	vadd.f32 v1, v0;
	v1 =	vmul.f32 v4, v4  }
0xe9: {  	v4 =	vld [tilespmem:$0x87E0]  }
0xea: {  	v0 =	vadd.f32 v1, v0;
	v1 =	vmul.f32 v2, v2  }
0xeb: {  	v2 =	vld [tilespmem:$0x85F0]  }
0xec: {  	v0 =	vadd.f32 v1, v0;
	v1 =	vmul.f32 v3, v3  }
0xed: {  	v5 =	vld [tilespmem:$0x87F0]  }
0xee: {  	s30 =	simm.s32 $0x0;
	v0 =	vadd.f32 v1, v0;
	v1 =	vmul.f32 v4, v4  }
0xef: {  	v3 =	vld [tilespmem:s30+$0x400]  }
0xf0: {  	v2 =	vmul.f32 v2, v2;
	v1 =	vadd.f32 v1, v0  }
0xf1: {  	v0 =	vld [tilespmem:s30+$0x410]  }
0xf2: {  	v1 =	vadd.f32 v2, v1;
	v2 =	vmul.f32 v5, v5  }
0xf3: {  	v4 =	vld [tilespmem:s30+$0x4400]  }
0xf4: {  	v6 =	vmul.f32 v3, v3;
	v5 =	vadd.f32 v2, v1;
	v1 =	vld [tilespmem:s30+$0x4410];
	_ =	sdelay $0x1  }
0xf5: {  	s31 =	simm.s32 $0x100;
	v2 =	vimm.f32 $0.0e+00;
	s30 =	simm.s32 $0x20;
	v5 =	vadd.f32 v6, v5;
	v6 =	vmul.f32 v0, v0  }
.LBB2_2:
0xf6: {  	p0 =	sne.s32 s31, $0xFF80;
	v7 =	vld [tilespmem:s30+$0x400]  }
0xf7: {  	v3 =	vmul.f32 v4, v3;
	v5 =	vadd.f32 v6, v5;
	v4 =	vmul.f32 v4, v4  }
0xf8: {  	v6 =	vmul.f32 v1, v0;
	v0 =	vld [tilespmem:s30+$0x410]  }
.Ltmp0:
0xf9: {  	v2 =	vadd.f32 v3, v2;
	v9 =	vadd.f32 v4, v5;
	v5 =	vmul.f32 v1, v1;
	(pc) =	sbr.rel @p0 .LBB2_2-.Ltmp0, $3  }
0xfa: {  	v4 =	vld [tilespmem:s30+$0x4400]  }
0xfb: {  	v1 =	vld [tilespmem:s30+$0x4410];
	v8 =	vmul.f32 v7, v7;
	v2 =	vadd.f32 v6, v2;
	v5 =	vadd.f32 v5, v9;
	v3 =	vmovc v7;
	_ =	sdelay $0x1  }
0xfc: {  	s30 =	sshra.s32 s31, $0x2;
	s31 =	sadd.s32 $0x80, s31;
	v5 =	vadd.f32 v8, v5;
	v6 =	vmul.f32 v0, v0  }
0xfd: {  	v7 =	vld [tilespmem:s30+$0x400]  }
0xfe: {  	v5 =	vadd.f32 v6, v5;
	v52 =	vmul.f32 v4, v4  }
0xff: {  	v8 =	vld [tilespmem:s30+$0x410]  }
0x100: {  	v9 =	vld [tilespmem:s30+$0x4400];
	v53 =	vmul.f32 v1, v1;
	v5 =	vadd.f32 v52, v5  }
0x101: {  	v3 =	vmul.f32 v4, v3  }
0x102: {  	v54 =	vld [tilespmem:s30+$0x4410];
	v5 =	vadd.f32 v53, v5;
	v55 =	vmul.f32 v7, v7  }
0x103: {  	v0 =	vmul.f32 v1, v0;
	v56 =	vadd.f32 v3, v2  }
0x104: {  	v58 =	vmul.f32 v8, v8;
	v57 =	vadd.f32 v55, v5  }
0x105: {  	v0 =	vadd.f32 v0, v56;
	v59 =	vmul.f32 v9, v7  }
0x106: {  	v60 =	vmul.f32 v9, v9;
	v2 =	vadd.f32 v58, v57  }
0x107: {  	v61 =	vmul.f32 v54, v8;
	v0 =	vadd.f32 v59, v0  }
0x108: {  	v63 =	vmul.f32 v54, v54;
	v62 =	vadd.f32 v60, v2  }
0x109: {  	v0 =	vadd.f32 v61, v0  }
0x10a: {  	s29 =	sadd.s32 $0x1, s29;
	v1 =	vadd.f32 v63, v62  }
0x10b: {  	p0 =	sne.s32 s29, s12;
	[tilespmem:$0x8800] =	vst v0  }
.Ltmp1:
0x10c: {  	[tilespmem:$0x8810] =	vst v1;
	(pc) =	sbr.rel @p0 .LBB2_1-.Ltmp1, $4  }
0x10d: {  	[hbm4b:s11+s2] =	stream.linear.scatter [tilespmem:s26], [sflag:$0x3], $0x20, $0x38;
	[tilespmem:$0x8820] =	vst v63  }
0x10e: {  	_ =	swait.ge [sflag:s13], $0x20  }
0x10f: {  	[sflag:s13] =	ssyncset.done $0x0  }
0x110: {  	[sflag:s13] =	ssyncadd.s32 $0xFFFFFFE0  }
0x111: {  	_ =	sfence.sel $0x180000  }
0x112: {  	[bflag:$0x0] =	sbarrier.arrive $0xFFFF  }
0x113: {  	_ =	strace $0x90000047  }
0x114: {  	s0 =	stileid.u32;
	[bflag:$0x2] =	sbarrier.arrive $0xFFFF  }
0x115: {  	p0 =	sne.s32 s0, $0x0;
	s0 =	rddreg [dreg:$0x4]  }
0x116: {  	s0 =	sadd.s32 @!p0 $0x100000, s0  }
0x117: {  	[sflag:s0] =	ssyncadd.tile.s32 @!p0 $0x1;
	_ =	shalt  }
.Lfunc_end2:
_tile_overlayer_lowered:
.L_overlay_start_2:
0x118: {  	(tag) =	ssettag $0x2  }
0x119: {  	s0 =	rddreg [dreg:$0x0];
	s2 =	stileid.u32  }
0x11a: {  	s1 =	rddreg [dreg:$0x1];
	p0 =	sne.s32 s2, $0x0  }
0x11b: {  	s3 =	rddreg [dreg:$0x2];
	[bflag:$0x3] =	sbarrier.arrive $0xFFFF;
	s2 =	simm.s32 @!p0 $0x1C03  }
0x11c: {  	[timem:s3], [sflag:s2] =	dma.local @!p0 [hbm:s0], s1  }
0x11d: {  	s0 =	simm.s32 @!p0 $0x3  }
0x11e: {  	_ =	swait.ge @!p0 [sflag:s0], s1  }
0x11f: {  	s1 =	ssub.s32 @!p0 $0x0, s1;
	[sflag:s0] =	ssyncset.done @!p0 $0x0  }
0x120: {  	[sflag:s0] =	ssyncadd.s32 @!p0 s1  }
0x121: {  	[bflag:$0x3] =	sbarrier.arrive $0xFFFF  }
0x122: {  	_ =	shalt  }

</sc_bundles>
